<compile_context>
chip_gen: v7x
topology: tpu7x:2x2x1
jax: 0.10.2.dev20260603
libtpu: 0.0.44.dev20260713+nightly
codegen_flags: <defaults>
</compile_context>

<pallas_src>
import functools

import jax
import jax.numpy as jnp
from jax import lax
from jax.experimental import pallas as pl
from jax.experimental.pallas import tpu as pltpu
from jax.experimental.pallas import tpu_sc as plsc

N_ATOMS = 1_000_000
DIM = 128
CHUNK = 128
N_FULL = N_ATOMS // CHUNK
TAIL = N_ATOMS - N_FULL * CHUNK
N_Z = 119
NC = 2
NS = 16
NW = NC * NS
BASE_CHUNKS = N_FULL // NW
EXTRA = N_FULL - BASE_CHUNKS * NW
NBUF = 6
ROUNDS = -(-(BASE_CHUNKS + 1) // NBUF)
SLAB = (BASE_CHUNKS + 1) * CHUNK

_mesh = plsc.VectorSubcoreMesh(core_axis_name="c", subcore_axis_name="s")


@functools.partial(
    pl.kernel,
    mesh=_mesh,
    out_type=jax.ShapeDtypeStruct((N_ATOMS, DIM), jnp.float32),
    scratch_types=[
        pltpu.VMEM((SLAB,), jnp.int32),
        pltpu.VMEM((NBUF, CHUNK, DIM), jnp.float32),
        pltpu.VMEM_SHARED((N_Z, DIM), jnp.float32),
        pltpu.SemaphoreType.DMA,
    ]
    + [pltpu.SemaphoreType.DMA] * NBUF
    + [pltpu.SemaphoreType.DMA] * NBUF,
)
def _embed(idx_hbm, table_hbm, out_hbm, idx_v, rows_v, table_sh, sem, *bsems):
    gsem = bsems[:NBUF]
    ssem = bsems[NBUF:]
    sid = lax.axis_index("s")
    wid = sid * NC + lax.axis_index("c")
    n_my = jnp.where(wid < EXTRA, BASE_CHUNKS + 1, BASE_CHUNKS)
    start_chunk = wid * BASE_CHUNKS + jnp.minimum(wid, EXTRA)
    atom0 = start_chunk * CHUNK

    @pl.when(sid == 0)
    def _stage_table():
        pltpu.sync_copy(table_hbm, table_sh)

    pltpu.sync_copy(
        idx_hbm.at[pl.ds(atom0, BASE_CHUNKS * CHUNK)],
        idx_v.at[pl.ds(0, BASE_CHUNKS * CHUNK)],
    )

    @pl.when(wid < EXTRA)
    def _extra_idx():
        pltpu.sync_copy(
            idx_hbm.at[pl.ds(atom0 + BASE_CHUNKS * CHUNK, CHUNK)],
            idx_v.at[pl.ds(BASE_CHUNKS * CHUNK, CHUNK)],
        )

    @pl.when(wid == NW - 1)
    def _tail_idx():
        pltpu.sync_copy(
            idx_hbm.at[pl.ds(N_FULL * CHUNK, TAIL)],
            idx_v.at[pl.ds(BASE_CHUNKS * CHUNK, TAIL)],
        )

    plsc.subcore_barrier()

    def _gather(v, b):
        return pltpu.make_async_copy(
            table_sh.at[idx_v.at[pl.ds(v * CHUNK, CHUNK)]], rows_v.at[b], gsem[b]
        )

    def _store(v, b):
        return pltpu.make_async_copy(
            rows_v.at[b], out_hbm.at[pl.ds((start_chunk + v) * CHUNK, CHUNK)], ssem[b]
        )

    def round_body(r, carry):
        for b in range(NBUF):
            v = r * NBUF + b

            @pl.when(v < n_my)
            def _(b=b, v=v):
                @pl.when(r >= 1)
                def _wait_prev():
                    _store(v - NBUF, b).wait()

                _gather(v, b).start()

        for b in range(NBUF):
            v = r * NBUF + b

            @pl.when(v < n_my)
            def _(b=b, v=v):
                _gather(v, b).wait()
                _store(v, b).start()

        return carry

    lax.fori_loop(0, ROUNDS, round_body, 0)

    for b in range(NBUF):
        v = (ROUNDS - 1) * NBUF + b
        vlast = jnp.where(v < n_my, v, v - NBUF)

        @pl.when((vlast >= 0) & (vlast < n_my))
        def _(b=b, vlast=vlast):
            _store(vlast, b).wait()

    @pl.when(wid == NW - 1)
    def _tail():
        base = N_FULL * CHUNK
        idx_t = idx_v.at[pl.ds(BASE_CHUNKS * CHUNK, TAIL)]
        rows_t = rows_v.at[0].at[pl.ds(0, TAIL)]
        pltpu.async_copy(table_sh.at[idx_t], rows_t, sem).wait()
        pltpu.sync_copy(rows_t, out_hbm.at[pl.ds(base, TAIL)])


def kernel(Z, embeddings):
    return _embed(Z.astype(jnp.int32), embeddings)

# --- scband reference (transcript-rebuilt; emitter-appended) ---
"""Pipeline reference for scband-per-element-embedding-30923764531734 (READ-ONLY COPY).

The authoritative reference and input builder live on the scoring server;
editing this copy changes nothing except your own understanding.
"""

import jax, jax.numpy as jnp
import numpy as np

MAX_Z = 118
DIM = 128
N_ATOMS = 1000000

def setup_inputs(seed: int = 0) -> dict:
    key = jax.random.key(seed)
    k1, k2 = jax.random.split(key)
    Z = jax.random.randint(k1, (N_ATOMS,), 0, MAX_Z + 1, dtype=jnp.int64 if jax.config.jax_enable_x64 else jnp.int32)
    # PerElementParameter.of_length(dim): shape (MAX_Z+1, dim), randn init
    embeddings = jax.random.normal(k2, (MAX_Z + 1, DIM), dtype=jnp.float32)
    return {"Z": Z, "embeddings": embeddings}

def reference(Z, embeddings):
    # PerElementEmbedding.forward: self._embeddings[Z]
    return jnp.take(embeddings, Z, axis=0)

if __name__ == "__main__":
    import jax
    _d = setup_inputs()
    print(jax.jit(kernel)(*tuple(_d.values())))

</pallas_src>

<mosaic_0001>
#map = affine_map<(d0, d1) -> (0)>
#map1 = affine_map<(d0, d1) -> (0, 0)>
module attributes {stable_mosaic.version = 14 : i64} {
  func.func @_embed(%arg0: i32, %arg1: i32, %arg2: memref<1000000xi32, #tpu.memory_space<hbm>>, %arg3: memref<119x128xf32, #tpu.memory_space<hbm>>, %arg4: memref<1000000x128xf32, #tpu.memory_space<hbm>>, %arg5: memref<31360xi32, #tpu.memory_space<vmem>>, %arg6: memref<6x128x128xf32, #tpu.memory_space<vmem>>, %arg7: memref<119x128xf32, #tpu.memory_space<vmem_shared>>, %arg8: memref<!tpu.dma_semaphore, #tpu.memory_space<semaphore_mem>>, %arg9: memref<!tpu.dma_semaphore, #tpu.memory_space<semaphore_mem>>, %arg10: memref<!tpu.dma_semaphore, #tpu.memory_space<semaphore_mem>>, %arg11: memref<!tpu.dma_semaphore, #tpu.memory_space<semaphore_mem>>, %arg12: memref<!tpu.dma_semaphore, #tpu.memory_space<semaphore_mem>>, %arg13: memref<!tpu.dma_semaphore, #tpu.memory_space<semaphore_mem>>, %arg14: memref<!tpu.dma_semaphore, #tpu.memory_space<semaphore_mem>>, %arg15: memref<!tpu.dma_semaphore, #tpu.memory_space<semaphore_mem>>, %arg16: memref<!tpu.dma_semaphore, #tpu.memory_space<semaphore_mem>>, %arg17: memref<!tpu.dma_semaphore, #tpu.memory_space<semaphore_mem>>, %arg18: memref<!tpu.dma_semaphore, #tpu.memory_space<semaphore_mem>>, %arg19: memref<!tpu.dma_semaphore, #tpu.memory_space<semaphore_mem>>, %arg20: memref<!tpu.dma_semaphore, #tpu.memory_space<semaphore_mem>>) attributes {dimension_semantics = [#tpu.dimension_semantics<core_parallel>, #tpu.dimension_semantics<subcore_parallel>], iteration_bounds = array<i64: 2, 16>, scalar_prefetch = 0 : i64, scratch_operands = 16 : i64, tpu.core_type = #tpu.core_type<sc_vector_subcore>, window_params = [{transform_indices = #map}, {transform_indices = #map1}, {transform_indices = #map1}]} {
    %mul3A = arith.constant 2 : i32
    %mul3A_0 = arith.muli %arg1, %mul3A : i32
    %add3A = arith.addi %mul3A_0, %arg0 : i32
    %lt3A = arith.constant 4 : i32
    %lt3A_1 = arith.cmpi slt, %add3A, %lt3A : i32
    %jit3A = arith.constant 245 : i32
    %jit3A_2 = arith.constant 244 : i32
    %select_n3A = arith.select %lt3A_1, %jit3A, %jit3A_2 : i32
    %mul3A_3 = arith.constant 244 : i32
    %mul3A_4 = arith.muli %add3A, %mul3A_3 : i32
    %min3A = arith.constant 4 : i32
    %min3A_5 = arith.minsi %add3A, %min3A : i32
    %add3A_6 = arith.addi %mul3A_4, %min3A_5 : i32
    %mul3A_7 = arith.constant 128 : i32
    %mul3A_8 = arith.muli %add3A_6, %mul3A_7 : i32
    %eq3A = arith.constant 0 : i32
    %eq3A_9 = arith.cmpi eq, %arg1, %eq3A : i32
    %convert_element_type3A = arith.extui %eq3A_9 : i1 to i32
    %cond3A = arith.constant 0 : i32
    %cond3A_10 = arith.cmpi ne, %convert_element_type3A, %cond3A : i32
    scf.if %cond3A_10 {
      "tpu.region"() ({
        %run_scoped3A = tpu.sem_alloc : memref<!tpu.dma_semaphore, #tpu.memory_space<semaphore_mem>>
        tpu.enqueue_dma source(%arg3 : memref<119x128xf32, #tpu.memory_space<hbm>>) target(%arg7 : memref<119x128xf32, #tpu.memory_space<vmem_shared>>) target_semaphore(%run_scoped3A : memref<!tpu.dma_semaphore, #tpu.memory_space<semaphore_mem>>)
        tpu.wait_dma2 semaphore(%run_scoped3A : memref<!tpu.dma_semaphore, #tpu.memory_space<semaphore_mem>>) src(%arg3 : memref<119x128xf32, #tpu.memory_space<hbm>>) dst(%arg7 : memref<119x128xf32, #tpu.memory_space<vmem_shared>>)
        tpu.yield
      }) : () -> ()
    } else {
    }
    "tpu.region"() ({
      %run_scoped3A = tpu.sem_alloc : memref<!tpu.dma_semaphore, #tpu.memory_space<semaphore_mem>>
      %dma_start3A = arith.constant 0 : i32
      %dma_start3A_100 = tpu.memref_slice %arg5[%dma_start3A] : memref<31360xi32, #tpu.memory_space<vmem>> -> memref<31232xi32, #tpu.memory_space<vmem>>
      %dma_start3A_101 = tpu.memref_slice %arg2[%mul3A_8] : memref<1000000xi32, #tpu.memory_space<hbm>> -> memref<31232xi32, #tpu.memory_space<hbm>>
      %dma_start3A_102 = arith.constant 0 : i32
      %dma_start3A_103 = tpu.memref_slice %arg5[%dma_start3A_102] : memref<31360xi32, #tpu.memory_space<vmem>> -> memref<31232xi32, #tpu.memory_space<vmem>>
      %dma_start3A_104 = tpu.memref_slice %arg2[%mul3A_8] : memref<1000000xi32, #tpu.memory_space<hbm>> -> memref<31232xi32, #tpu.memory_space<hbm>>
      tpu.enqueue_dma source(%dma_start3A_104 : memref<31232xi32, #tpu.memory_space<hbm>>) target(%dma_start3A_103 : memref<31232xi32, #tpu.memory_space<vmem>>) target_semaphore(%run_scoped3A : memref<!tpu.dma_semaphore, #tpu.memory_space<semaphore_mem>>)
      %dma_wait3A = arith.constant 0 : i32
      %dma_wait3A_105 = tpu.memref_slice %arg5[%dma_wait3A] : memref<31360xi32, #tpu.memory_space<vmem>> -> memref<31232xi32, #tpu.memory_space<vmem>>
      %dma_wait3A_106 = tpu.memref_slice %arg2[%mul3A_8] : memref<1000000xi32, #tpu.memory_space<hbm>> -> memref<31232xi32, #tpu.memory_space<hbm>>
      %dma_wait3A_107 = arith.constant 0 : i32
      %dma_wait3A_108 = tpu.memref_slice %arg5[%dma_wait3A_107] : memref<31360xi32, #tpu.memory_space<vmem>> -> memref<31232xi32, #tpu.memory_space<vmem>>
      %dma_wait3A_109 = tpu.memref_slice %arg2[%mul3A_8] : memref<1000000xi32, #tpu.memory_space<hbm>> -> memref<31232xi32, #tpu.memory_space<hbm>>
      tpu.wait_dma2 semaphore(%run_scoped3A : memref<!tpu.dma_semaphore, #tpu.memory_space<semaphore_mem>>) src(%dma_wait3A_109 : memref<31232xi32, #tpu.memory_space<hbm>>) dst(%dma_wait3A_108 : memref<31232xi32, #tpu.memory_space<vmem>>)
      tpu.yield
    }) : () -> ()
    %lt3A_11 = arith.constant 4 : i32
    %lt3A_12 = arith.cmpi slt, %add3A, %lt3A_11 : i32
    %convert_element_type3A_13 = arith.extui %lt3A_12 : i1 to i32
    %cond3A_14 = arith.constant 0 : i32
    %cond3A_15 = arith.cmpi ne, %convert_element_type3A_13, %cond3A_14 : i32
    scf.if %cond3A_15 {
      %add3A_100 = arith.constant 31232 : i32
      %add3A_101 = arith.addi %mul3A_8, %add3A_100 : i32
      "tpu.region"() ({
        %run_scoped3A = tpu.sem_alloc : memref<!tpu.dma_semaphore, #tpu.memory_space<semaphore_mem>>
        %dma_start3A = arith.constant 31232 : i32
        %dma_start3A_102 = tpu.memref_slice %arg5[%dma_start3A] : memref<31360xi32, #tpu.memory_space<vmem>> -> memref<128xi32, #tpu.memory_space<vmem>>
        %dma_start3A_103 = tpu.memref_slice %arg2[%add3A_101] : memref<1000000xi32, #tpu.memory_space<hbm>> -> memref<128xi32, #tpu.memory_space<hbm>>
        %dma_start3A_104 = arith.constant 31232 : i32
        %dma_start3A_105 = tpu.memref_slice %arg5[%dma_start3A_104] : memref<31360xi32, #tpu.memory_space<vmem>> -> memref<128xi32, #tpu.memory_space<vmem>>
        %dma_start3A_106 = tpu.memref_slice %arg2[%add3A_101] : memref<1000000xi32, #tpu.memory_space<hbm>> -> memref<128xi32, #tpu.memory_space<hbm>>
        tpu.enqueue_dma source(%dma_start3A_106 : memref<128xi32, #tpu.memory_space<hbm>>) target(%dma_start3A_105 : memref<128xi32, #tpu.memory_space<vmem>>) target_semaphore(%run_scoped3A : memref<!tpu.dma_semaphore, #tpu.memory_space<semaphore_mem>>)
        %dma_wait3A = arith.constant 31232 : i32
        %dma_wait3A_107 = tpu.memref_slice %arg5[%dma_wait3A] : memref<31360xi32, #tpu.memory_space<vmem>> -> memref<128xi32, #tpu.memory_space<vmem>>
        %dma_wait3A_108 = tpu.memref_slice %arg2[%add3A_101] : memref<1000000xi32, #tpu.memory_space<hbm>> -> memref<128xi32, #tpu.memory_space<hbm>>
        %dma_wait3A_109 = arith.constant 31232 : i32
        %dma_wait3A_110 = tpu.memref_slice %arg5[%dma_wait3A_109] : memref<31360xi32, #tpu.memory_space<vmem>> -> memref<128xi32, #tpu.memory_space<vmem>>
        %dma_wait3A_111 = tpu.memref_slice %arg2[%add3A_101] : memref<1000000xi32, #tpu.memory_space<hbm>> -> memref<128xi32, #tpu.memory_space<hbm>>
        tpu.wait_dma2 semaphore(%run_scoped3A : memref<!tpu.dma_semaphore, #tpu.memory_space<semaphore_mem>>) src(%dma_wait3A_111 : memref<128xi32, #tpu.memory_space<hbm>>) dst(%dma_wait3A_110 : memref<128xi32, #tpu.memory_space<vmem>>)
        tpu.yield
      }) : () -> ()
    } else {
    }
    %eq3A_16 = arith.constant 31 : i32
    %eq3A_17 = arith.cmpi eq, %add3A, %eq3A_16 : i32
    %convert_element_type3A_18 = arith.extui %eq3A_17 : i1 to i32
    %cond3A_19 = arith.constant 0 : i32
    %cond3A_20 = arith.cmpi ne, %convert_element_type3A_18, %cond3A_19 : i32
    scf.if %cond3A_20 {
      "tpu.region"() ({
        %run_scoped3A = tpu.sem_alloc : memref<!tpu.dma_semaphore, #tpu.memory_space<semaphore_mem>>
        %dma_start3A = arith.constant 31232 : i32
        %dma_start3A_100 = tpu.memref_slice %arg5[%dma_start3A] : memref<31360xi32, #tpu.memory_space<vmem>> -> memref<64xi32, #tpu.memory_space<vmem>>
        %dma_start3A_101 = arith.constant 999936 : i32
        %dma_start3A_102 = tpu.memref_slice %arg2[%dma_start3A_101] : memref<1000000xi32, #tpu.memory_space<hbm>> -> memref<64xi32, #tpu.memory_space<hbm>>
        %dma_start3A_103 = arith.constant 31232 : i32
        %dma_start3A_104 = tpu.memref_slice %arg5[%dma_start3A_103] : memref<31360xi32, #tpu.memory_space<vmem>> -> memref<64xi32, #tpu.memory_space<vmem>>
        %dma_start3A_105 = arith.constant 999936 : i32
        %dma_start3A_106 = tpu.memref_slice %arg2[%dma_start3A_105] : memref<1000000xi32, #tpu.memory_space<hbm>> -> memref<64xi32, #tpu.memory_space<hbm>>
        tpu.enqueue_dma source(%dma_start3A_106 : memref<64xi32, #tpu.memory_space<hbm>>) target(%dma_start3A_104 : memref<64xi32, #tpu.memory_space<vmem>>) target_semaphore(%run_scoped3A : memref<!tpu.dma_semaphore, #tpu.memory_space<semaphore_mem>>)
        %dma_wait3A = arith.constant 31232 : i32
        %dma_wait3A_107 = tpu.memref_slice %arg5[%dma_wait3A] : memref<31360xi32, #tpu.memory_space<vmem>> -> memref<64xi32, #tpu.memory_space<vmem>>
        %dma_wait3A_108 = arith.constant 999936 : i32
        %dma_wait3A_109 = tpu.memref_slice %arg2[%dma_wait3A_108] : memref<1000000xi32, #tpu.memory_space<hbm>> -> memref<64xi32, #tpu.memory_space<hbm>>
        %dma_wait3A_110 = arith.constant 31232 : i32
        %dma_wait3A_111 = tpu.memref_slice %arg5[%dma_wait3A_110] : memref<31360xi32, #tpu.memory_space<vmem>> -> memref<64xi32, #tpu.memory_space<vmem>>
        %dma_wait3A_112 = arith.constant 999936 : i32
        %dma_wait3A_113 = tpu.memref_slice %arg2[%dma_wait3A_112] : memref<1000000xi32, #tpu.memory_space<hbm>> -> memref<64xi32, #tpu.memory_space<hbm>>
        tpu.wait_dma2 semaphore(%run_scoped3A : memref<!tpu.dma_semaphore, #tpu.memory_space<semaphore_mem>>) src(%dma_wait3A_113 : memref<64xi32, #tpu.memory_space<hbm>>) dst(%dma_wait3A_111 : memref<64xi32, #tpu.memory_space<vmem>>)
        tpu.yield
      }) : () -> ()
    } else {
    }
    %barrier3A = arith.constant 0 : index
    tpu.barrier barrier_id(%barrier3A)
    %scan3A = arith.constant 0 : i32
    %scan3A_21 = arith.constant 0 : i32
    %scan3A_22 = arith.constant 41 : i32
    %scan3A_23 = arith.addi %scan3A_21, %scan3A_22 : i32
    %scan3A_24 = arith.constant 1 : i32
    scf.for %scan3A_100 = %scan3A_21 to %scan3A_23 step %scan3A_24  : i32 {
      %mul3A_101 = arith.constant 6 : i32
      %mul3A_102 = arith.muli %scan3A_100, %mul3A_101 : i32
      %add3A_103 = arith.constant 0 : i32
      %add3A_104 = arith.addi %mul3A_102, %add3A_103 : i32
      %lt3A_105 = arith.cmpi slt, %add3A_104, %select_n3A : i32
      %convert_element_type3A_106 = arith.extui %lt3A_105 : i1 to i32
      %cond3A_107 = arith.constant 0 : i32
      %cond3A_108 = arith.cmpi ne, %convert_element_type3A_106, %cond3A_107 : i32
      scf.if %cond3A_108 {
        %ge3A_197 = arith.constant 1 : i32
        %ge3A_198 = arith.cmpi sge, %scan3A_100, %ge3A_197 : i32
        %convert_element_type3A_199 = arith.extui %ge3A_198 : i1 to i32
        %cond3A_200 = arith.constant 0 : i32
        %cond3A_201 = arith.cmpi ne, %convert_element_type3A_199, %cond3A_200 : i32
        scf.if %cond3A_201 {
          %sub3A = arith.constant 6 : i32
          %sub3A_212 = arith.subi %add3A_104, %sub3A : i32
          %add3A_213 = arith.addi %add3A_6, %sub3A_212 : i32
          %mul3A_214 = arith.constant 128 : i32
          %mul3A_215 = arith.muli %add3A_213, %mul3A_214 : i32
          %dma_wait3A = arith.constant 0 : i32
          %dma_wait3A_216 = arith.constant 0 : i32
          %dma_wait3A_217 = arith.constant 0 : i32
          %dma_wait3A_218 = tpu.memref_slice %arg6[%dma_wait3A, %dma_wait3A_216, %dma_wait3A_217] : memref<6x128x128xf32, #tpu.memory_space<vmem>> -> memref<1x128x128xf32, #tpu.memory_space<vmem>>
          %dma_wait3A_219 = tpu.memref_squeeze %dma_wait3A_218 : memref<1x128x128xf32, #tpu.memory_space<vmem>> -> memref<128x128xf32, #tpu.memory_space<vmem>>
          %dma_wait3A_220 = arith.constant 0 : i32
          %dma_wait3A_221 = tpu.memref_slice %arg4[%mul3A_215, %dma_wait3A_220] : memref<1000000x128xf32, #tpu.memory_space<hbm>> -> memref<128x128xf32, #tpu.memory_space<hbm>>
          %dma_wait3A_222 = arith.constant 0 : i32
          %dma_wait3A_223 = tpu.memref_slice %arg4[%mul3A_215, %dma_wait3A_222] : memref<1000000x128xf32, #tpu.memory_space<hbm>> -> memref<128x128xf32, #tpu.memory_space<hbm>>
          %dma_wait3A_224 = arith.constant 0 : i32
          %dma_wait3A_225 = arith.constant 0 : i32
          %dma_wait3A_226 = tpu.memref_slice %arg6[%dma_wait3A, %dma_wait3A_224, %dma_wait3A_225] : memref<6x128x128xf32, #tpu.memory_space<vmem>> -> memref<1x128x128xf32, #tpu.memory_space<vmem>>
          %dma_wait3A_227 = tpu.memref_squeeze %dma_wait3A_226 : memref<1x128x128xf32, #tpu.memory_space<vmem>> -> memref<128x128xf32, #tpu.memory_space<vmem>>
          tpu.wait_dma2 semaphore(%arg15 : memref<!tpu.dma_semaphore, #tpu.memory_space<semaphore_mem>>) src(%dma_wait3A_227 : memref<128x128xf32, #tpu.memory_space<vmem>>) dst(%dma_wait3A_223 : memref<128x128xf32, #tpu.memory_space<hbm>>)
        } else {
        }
        %mul3A_202 = arith.constant 128 : i32
        %mul3A_203 = arith.muli %add3A_104, %mul3A_202 : i32
        %dma_start3A = arith.constant 0 : i32
        %dma_start3A_204 = arith.constant 0 : i32
        %dma_start3A_205 = arith.constant 0 : i32
        %dma_start3A_206 = tpu.memref_slice %arg6[%dma_start3A, %dma_start3A_204, %dma_start3A_205] : memref<6x128x128xf32, #tpu.memory_space<vmem>> -> memref<1x128x128xf32, #tpu.memory_space<vmem>>
        %dma_start3A_207 = tpu.memref_squeeze %dma_start3A_206 : memref<1x128x128xf32, #tpu.memory_space<vmem>> -> memref<128x128xf32, #tpu.memory_space<vmem>>
        %dma_start3A_208 = tpu.memref_slice %arg5[%mul3A_203] : memref<31360xi32, #tpu.memory_space<vmem>> -> memref<128xi32, #tpu.memory_space<vmem>>
        %dma_start3A_209 = arith.constant 0 : i32
        %dma_start3A_210 = arith.constant 0 : i32
        %dma_start3A_211 = tpu.memref_slice %arg7[%dma_start3A_209, %dma_start3A_210] : memref<119x128xf32, #tpu.memory_space<vmem_shared>> -> memref<119x128xf32, #tpu.memory_space<vmem_shared>>
        tpu.enqueue_indirect_dma source(%dma_start3A_211 : memref<119x128xf32, #tpu.memory_space<vmem_shared>>) target(%dma_start3A_207 : memref<128x128xf32, #tpu.memory_space<vmem>>) offsets(%dma_start3A_208 : memref<128xi32, #tpu.memory_space<vmem>>) semaphore(%arg9 : memref<!tpu.dma_semaphore, #tpu.memory_space<semaphore_mem>>)
      } else {
      }
      %mul3A_109 = arith.constant 6 : i32
      %mul3A_110 = arith.muli %scan3A_100, %mul3A_109 : i32
      %add3A_111 = arith.constant 1 : i32
      %add3A_112 = arith.addi %mul3A_110, %add3A_111 : i32
      %lt3A_113 = arith.cmpi slt, %add3A_112, %select_n3A : i32
      %convert_element_type3A_114 = arith.extui %lt3A_113 : i1 to i32
      %cond3A_115 = arith.constant 0 : i32
      %cond3A_116 = arith.cmpi ne, %convert_element_type3A_114, %cond3A_115 : i32
      scf.if %cond3A_116 {
        %ge3A_197 = arith.constant 1 : i32
        %ge3A_198 = arith.cmpi sge, %scan3A_100, %ge3A_197 : i32
        %convert_element_type3A_199 = arith.extui %ge3A_198 : i1 to i32
        %cond3A_200 = arith.constant 0 : i32
        %cond3A_201 = arith.cmpi ne, %convert_element_type3A_199, %cond3A_200 : i32
        scf.if %cond3A_201 {
          %sub3A = arith.constant 6 : i32
          %sub3A_212 = arith.subi %add3A_112, %sub3A : i32
          %add3A_213 = arith.addi %add3A_6, %sub3A_212 : i32
          %mul3A_214 = arith.constant 128 : i32
          %mul3A_215 = arith.muli %add3A_213, %mul3A_214 : i32
          %dma_wait3A = arith.constant 1 : i32
          %dma_wait3A_216 = arith.constant 0 : i32
          %dma_wait3A_217 = arith.constant 0 : i32
          %dma_wait3A_218 = tpu.memref_slice %arg6[%dma_wait3A, %dma_wait3A_216, %dma_wait3A_217] : memref<6x128x128xf32, #tpu.memory_space<vmem>> -> memref<1x128x128xf32, #tpu.memory_space<vmem>>
          %dma_wait3A_219 = tpu.memref_squeeze %dma_wait3A_218 : memref<1x128x128xf32, #tpu.memory_space<vmem>> -> memref<128x128xf32, #tpu.memory_space<vmem>>
          %dma_wait3A_220 = arith.constant 0 : i32
          %dma_wait3A_221 = tpu.memref_slice %arg4[%mul3A_215, %dma_wait3A_220] : memref<1000000x128xf32, #tpu.memory_space<hbm>> -> memref<128x128xf32, #tpu.memory_space<hbm>>
          %dma_wait3A_222 = arith.constant 0 : i32
          %dma_wait3A_223 = tpu.memref_slice %arg4[%mul3A_215, %dma_wait3A_222] : memref<1000000x128xf32, #tpu.memory_space<hbm>> -> memref<128x128xf32, #tpu.memory_space<hbm>>
          %dma_wait3A_224 = arith.constant 0 : i32
          %dma_wait3A_225 = arith.constant 0 : i32
          %dma_wait3A_226 = tpu.memref_slice %arg6[%dma_wait3A, %dma_wait3A_224, %dma_wait3A_225] : memref<6x128x128xf32, #tpu.memory_space<vmem>> -> memref<1x128x128xf32, #tpu.memory_space<vmem>>
          %dma_wait3A_227 = tpu.memref_squeeze %dma_wait3A_226 : memref<1x128x128xf32, #tpu.memory_space<vmem>> -> memref<128x128xf32, #tpu.memory_space<vmem>>
          tpu.wait_dma2 semaphore(%arg16 : memref<!tpu.dma_semaphore, #tpu.memory_space<semaphore_mem>>) src(%dma_wait3A_227 : memref<128x128xf32, #tpu.memory_space<vmem>>) dst(%dma_wait3A_223 : memref<128x128xf32, #tpu.memory_space<hbm>>)
        } else {
        }
        %mul3A_202 = arith.constant 128 : i32
        %mul3A_203 = arith.muli %add3A_112, %mul3A_202 : i32
        %dma_start3A = arith.constant 1 : i32
        %dma_start3A_204 = arith.constant 0 : i32
        %dma_start3A_205 = arith.constant 0 : i32
        %dma_start3A_206 = tpu.memref_slice %arg6[%dma_start3A, %dma_start3A_204, %dma_start3A_205] : memref<6x128x128xf32, #tpu.memory_space<vmem>> -> memref<1x128x128xf32, #tpu.memory_space<vmem>>
        %dma_start3A_207 = tpu.memref_squeeze %dma_start3A_206 : memref<1x128x128xf32, #tpu.memory_space<vmem>> -> memref<128x128xf32, #tpu.memory_space<vmem>>
        %dma_start3A_208 = tpu.memref_slice %arg5[%mul3A_203] : memref<31360xi32, #tpu.memory_space<vmem>> -> memref<128xi32, #tpu.memory_space<vmem>>
        %dma_start3A_209 = arith.constant 0 : i32
        %dma_start3A_210 = arith.constant 0 : i32
        %dma_start3A_211 = tpu.memref_slice %arg7[%dma_start3A_209, %dma_start3A_210] : memref<119x128xf32, #tpu.memory_space<vmem_shared>> -> memref<119x128xf32, #tpu.memory_space<vmem_shared>>
        tpu.enqueue_indirect_dma source(%dma_start3A_211 : memref<119x128xf32, #tpu.memory_space<vmem_shared>>) target(%dma_start3A_207 : memref<128x128xf32, #tpu.memory_space<vmem>>) offsets(%dma_start3A_208 : memref<128xi32, #tpu.memory_space<vmem>>) semaphore(%arg10 : memref<!tpu.dma_semaphore, #tpu.memory_space<semaphore_mem>>)
      } else {
      }
      %mul3A_117 = arith.constant 6 : i32
      %mul3A_118 = arith.muli %scan3A_100, %mul3A_117 : i32
      %add3A_119 = arith.constant 2 : i32
      %add3A_120 = arith.addi %mul3A_118, %add3A_119 : i32
      %lt3A_121 = arith.cmpi slt, %add3A_120, %select_n3A : i32
      %convert_element_type3A_122 = arith.extui %lt3A_121 : i1 to i32
      %cond3A_123 = arith.constant 0 : i32
      %cond3A_124 = arith.cmpi ne, %convert_element_type3A_122, %cond3A_123 : i32
      scf.if %cond3A_124 {
        %ge3A_197 = arith.constant 1 : i32
        %ge3A_198 = arith.cmpi sge, %scan3A_100, %ge3A_197 : i32
        %convert_element_type3A_199 = arith.extui %ge3A_198 : i1 to i32
        %cond3A_200 = arith.constant 0 : i32
        %cond3A_201 = arith.cmpi ne, %convert_element_type3A_199, %cond3A_200 : i32
        scf.if %cond3A_201 {
          %sub3A = arith.constant 6 : i32
          %sub3A_212 = arith.subi %add3A_120, %sub3A : i32
          %add3A_213 = arith.addi %add3A_6, %sub3A_212 : i32
          %mul3A_214 = arith.constant 128 : i32
          %mul3A_215 = arith.muli %add3A_213, %mul3A_214 : i32
          %dma_wait3A = arith.constant 2 : i32
          %dma_wait3A_216 = arith.constant 0 : i32
          %dma_wait3A_217 = arith.constant 0 : i32
          %dma_wait3A_218 = tpu.memref_slice %arg6[%dma_wait3A, %dma_wait3A_216, %dma_wait3A_217] : memref<6x128x128xf32, #tpu.memory_space<vmem>> -> memref<1x128x128xf32, #tpu.memory_space<vmem>>
          %dma_wait3A_219 = tpu.memref_squeeze %dma_wait3A_218 : memref<1x128x128xf32, #tpu.memory_space<vmem>> -> memref<128x128xf32, #tpu.memory_space<vmem>>
          %dma_wait3A_220 = arith.constant 0 : i32
          %dma_wait3A_221 = tpu.memref_slice %arg4[%mul3A_215, %dma_wait3A_220] : memref<1000000x128xf32, #tpu.memory_space<hbm>> -> memref<128x128xf32, #tpu.memory_space<hbm>>
          %dma_wait3A_222 = arith.constant 0 : i32
          %dma_wait3A_223 = tpu.memref_slice %arg4[%mul3A_215, %dma_wait3A_222] : memref<1000000x128xf32, #tpu.memory_space<hbm>> -> memref<128x128xf32, #tpu.memory_space<hbm>>
          %dma_wait3A_224 = arith.constant 0 : i32
          %dma_wait3A_225 = arith.constant 0 : i32
          %dma_wait3A_226 = tpu.memref_slice %arg6[%dma_wait3A, %dma_wait3A_224, %dma_wait3A_225] : memref<6x128x128xf32, #tpu.memory_space<vmem>> -> memref<1x128x128xf32, #tpu.memory_space<vmem>>
          %dma_wait3A_227 = tpu.memref_squeeze %dma_wait3A_226 : memref<1x128x128xf32, #tpu.memory_space<vmem>> -> memref<128x128xf32, #tpu.memory_space<vmem>>
          tpu.wait_dma2 semaphore(%arg17 : memref<!tpu.dma_semaphore, #tpu.memory_space<semaphore_mem>>) src(%dma_wait3A_227 : memref<128x128xf32, #tpu.memory_space<vmem>>) dst(%dma_wait3A_223 : memref<128x128xf32, #tpu.memory_space<hbm>>)
        } else {
        }
        %mul3A_202 = arith.constant 128 : i32
        %mul3A_203 = arith.muli %add3A_120, %mul3A_202 : i32
        %dma_start3A = arith.constant 2 : i32
        %dma_start3A_204 = arith.constant 0 : i32
        %dma_start3A_205 = arith.constant 0 : i32
        %dma_start3A_206 = tpu.memref_slice %arg6[%dma_start3A, %dma_start3A_204, %dma_start3A_205] : memref<6x128x128xf32, #tpu.memory_space<vmem>> -> memref<1x128x128xf32, #tpu.memory_space<vmem>>
        %dma_start3A_207 = tpu.memref_squeeze %dma_start3A_206 : memref<1x128x128xf32, #tpu.memory_space<vmem>> -> memref<128x128xf32, #tpu.memory_space<vmem>>
        %dma_start3A_208 = tpu.memref_slice %arg5[%mul3A_203] : memref<31360xi32, #tpu.memory_space<vmem>> -> memref<128xi32, #tpu.memory_space<vmem>>
        %dma_start3A_209 = arith.constant 0 : i32
        %dma_start3A_210 = arith.constant 0 : i32
        %dma_start3A_211 = tpu.memref_slice %arg7[%dma_start3A_209, %dma_start3A_210] : memref<119x128xf32, #tpu.memory_space<vmem_shared>> -> memref<119x128xf32, #tpu.memory_space<vmem_shared>>
        tpu.enqueue_indirect_dma source(%dma_start3A_211 : memref<119x128xf32, #tpu.memory_space<vmem_shared>>) target(%dma_start3A_207 : memref<128x128xf32, #tpu.memory_space<vmem>>) offsets(%dma_start3A_208 : memref<128xi32, #tpu.memory_space<vmem>>) semaphore(%arg11 : memref<!tpu.dma_semaphore, #tpu.memory_space<semaphore_mem>>)
      } else {
      }
      %mul3A_125 = arith.constant 6 : i32
      %mul3A_126 = arith.muli %scan3A_100, %mul3A_125 : i32
      %add3A_127 = arith.constant 3 : i32
      %add3A_128 = arith.addi %mul3A_126, %add3A_127 : i32
      %lt3A_129 = arith.cmpi slt, %add3A_128, %select_n3A : i32
      %convert_element_type3A_130 = arith.extui %lt3A_129 : i1 to i32
      %cond3A_131 = arith.constant 0 : i32
      %cond3A_132 = arith.cmpi ne, %convert_element_type3A_130, %cond3A_131 : i32
      scf.if %cond3A_132 {
        %ge3A_197 = arith.constant 1 : i32
        %ge3A_198 = arith.cmpi sge, %scan3A_100, %ge3A_197 : i32
        %convert_element_type3A_199 = arith.extui %ge3A_198 : i1 to i32
        %cond3A_200 = arith.constant 0 : i32
        %cond3A_201 = arith.cmpi ne, %convert_element_type3A_199, %cond3A_200 : i32
        scf.if %cond3A_201 {
          %sub3A = arith.constant 6 : i32
          %sub3A_212 = arith.subi %add3A_128, %sub3A : i32
          %add3A_213 = arith.addi %add3A_6, %sub3A_212 : i32
          %mul3A_214 = arith.constant 128 : i32
          %mul3A_215 = arith.muli %add3A_213, %mul3A_214 : i32
          %dma_wait3A = arith.constant 3 : i32
          %dma_wait3A_216 = arith.constant 0 : i32
          %dma_wait3A_217 = arith.constant 0 : i32
          %dma_wait3A_218 = tpu.memref_slice %arg6[%dma_wait3A, %dma_wait3A_216, %dma_wait3A_217] : memref<6x128x128xf32, #tpu.memory_space<vmem>> -> memref<1x128x128xf32, #tpu.memory_space<vmem>>
          %dma_wait3A_219 = tpu.memref_squeeze %dma_wait3A_218 : memref<1x128x128xf32, #tpu.memory_space<vmem>> -> memref<128x128xf32, #tpu.memory_space<vmem>>
          %dma_wait3A_220 = arith.constant 0 : i32
          %dma_wait3A_221 = tpu.memref_slice %arg4[%mul3A_215, %dma_wait3A_220] : memref<1000000x128xf32, #tpu.memory_space<hbm>> -> memref<128x128xf32, #tpu.memory_space<hbm>>
          %dma_wait3A_222 = arith.constant 0 : i32
          %dma_wait3A_223 = tpu.memref_slice %arg4[%mul3A_215, %dma_wait3A_222] : memref<1000000x128xf32, #tpu.memory_space<hbm>> -> memref<128x128xf32, #tpu.memory_space<hbm>>
          %dma_wait3A_224 = arith.constant 0 : i32
          %dma_wait3A_225 = arith.constant 0 : i32
          %dma_wait3A_226 = tpu.memref_slice %arg6[%dma_wait3A, %dma_wait3A_224, %dma_wait3A_225] : memref<6x128x128xf32, #tpu.memory_space<vmem>> -> memref<1x128x128xf32, #tpu.memory_space<vmem>>
          %dma_wait3A_227 = tpu.memref_squeeze %dma_wait3A_226 : memref<1x128x128xf32, #tpu.memory_space<vmem>> -> memref<128x128xf32, #tpu.memory_space<vmem>>
          tpu.wait_dma2 semaphore(%arg18 : memref<!tpu.dma_semaphore, #tpu.memory_space<semaphore_mem>>) src(%dma_wait3A_227 : memref<128x128xf32, #tpu.memory_space<vmem>>) dst(%dma_wait3A_223 : memref<128x128xf32, #tpu.memory_space<hbm>>)
        } else {
        }
        %mul3A_202 = arith.constant 128 : i32
        %mul3A_203 = arith.muli %add3A_128, %mul3A_202 : i32
        %dma_start3A = arith.constant 3 : i32
        %dma_start3A_204 = arith.constant 0 : i32
        %dma_start3A_205 = arith.constant 0 : i32
        %dma_start3A_206 = tpu.memref_slice %arg6[%dma_start3A, %dma_start3A_204, %dma_start3A_205] : memref<6x128x128xf32, #tpu.memory_space<vmem>> -> memref<1x128x128xf32, #tpu.memory_space<vmem>>
        %dma_start3A_207 = tpu.memref_squeeze %dma_start3A_206 : memref<1x128x128xf32, #tpu.memory_space<vmem>> -> memref<128x128xf32, #tpu.memory_space<vmem>>
        %dma_start3A_208 = tpu.memref_slice %arg5[%mul3A_203] : memref<31360xi32, #tpu.memory_space<vmem>> -> memref<128xi32, #tpu.memory_space<vmem>>
        %dma_start3A_209 = arith.constant 0 : i32
        %dma_start3A_210 = arith.constant 0 : i32
        %dma_start3A_211 = tpu.memref_slice %arg7[%dma_start3A_209, %dma_start3A_210] : memref<119x128xf32, #tpu.memory_space<vmem_shared>> -> memref<119x128xf32, #tpu.memory_space<vmem_shared>>
        tpu.enqueue_indirect_dma source(%dma_start3A_211 : memref<119x128xf32, #tpu.memory_space<vmem_shared>>) target(%dma_start3A_207 : memref<128x128xf32, #tpu.memory_space<vmem>>) offsets(%dma_start3A_208 : memref<128xi32, #tpu.memory_space<vmem>>) semaphore(%arg12 : memref<!tpu.dma_semaphore, #tpu.memory_space<semaphore_mem>>)
      } else {
      }
      %mul3A_133 = arith.constant 6 : i32
      %mul3A_134 = arith.muli %scan3A_100, %mul3A_133 : i32
      %add3A_135 = arith.constant 4 : i32
      %add3A_136 = arith.addi %mul3A_134, %add3A_135 : i32
      %lt3A_137 = arith.cmpi slt, %add3A_136, %select_n3A : i32
      %convert_element_type3A_138 = arith.extui %lt3A_137 : i1 to i32
      %cond3A_139 = arith.constant 0 : i32
      %cond3A_140 = arith.cmpi ne, %convert_element_type3A_138, %cond3A_139 : i32
      scf.if %cond3A_140 {
        %ge3A_197 = arith.constant 1 : i32
        %ge3A_198 = arith.cmpi sge, %scan3A_100, %ge3A_197 : i32
        %convert_element_type3A_199 = arith.extui %ge3A_198 : i1 to i32
        %cond3A_200 = arith.constant 0 : i32
        %cond3A_201 = arith.cmpi ne, %convert_element_type3A_199, %cond3A_200 : i32
        scf.if %cond3A_201 {
          %sub3A = arith.constant 6 : i32
          %sub3A_212 = arith.subi %add3A_136, %sub3A : i32
          %add3A_213 = arith.addi %add3A_6, %sub3A_212 : i32
          %mul3A_214 = arith.constant 128 : i32
          %mul3A_215 = arith.muli %add3A_213, %mul3A_214 : i32
          %dma_wait3A = arith.constant 4 : i32
          %dma_wait3A_216 = arith.constant 0 : i32
          %dma_wait3A_217 = arith.constant 0 : i32
          %dma_wait3A_218 = tpu.memref_slice %arg6[%dma_wait3A, %dma_wait3A_216, %dma_wait3A_217] : memref<6x128x128xf32, #tpu.memory_space<vmem>> -> memref<1x128x128xf32, #tpu.memory_space<vmem>>
          %dma_wait3A_219 = tpu.memref_squeeze %dma_wait3A_218 : memref<1x128x128xf32, #tpu.memory_space<vmem>> -> memref<128x128xf32, #tpu.memory_space<vmem>>
          %dma_wait3A_220 = arith.constant 0 : i32
          %dma_wait3A_221 = tpu.memref_slice %arg4[%mul3A_215, %dma_wait3A_220] : memref<1000000x128xf32, #tpu.memory_space<hbm>> -> memref<128x128xf32, #tpu.memory_space<hbm>>
          %dma_wait3A_222 = arith.constant 0 : i32
          %dma_wait3A_223 = tpu.memref_slice %arg4[%mul3A_215, %dma_wait3A_222] : memref<1000000x128xf32, #tpu.memory_space<hbm>> -> memref<128x128xf32, #tpu.memory_space<hbm>>
          %dma_wait3A_224 = arith.constant 0 : i32
          %dma_wait3A_225 = arith.constant 0 : i32
          %dma_wait3A_226 = tpu.memref_slice %arg6[%dma_wait3A, %dma_wait3A_224, %dma_wait3A_225] : memref<6x128x128xf32, #tpu.memory_space<vmem>> -> memref<1x128x128xf32, #tpu.memory_space<vmem>>
          %dma_wait3A_227 = tpu.memref_squeeze %dma_wait3A_226 : memref<1x128x128xf32, #tpu.memory_space<vmem>> -> memref<128x128xf32, #tpu.memory_space<vmem>>
          tpu.wait_dma2 semaphore(%arg19 : memref<!tpu.dma_semaphore, #tpu.memory_space<semaphore_mem>>) src(%dma_wait3A_227 : memref<128x128xf32, #tpu.memory_space<vmem>>) dst(%dma_wait3A_223 : memref<128x128xf32, #tpu.memory_space<hbm>>)
        } else {
        }
        %mul3A_202 = arith.constant 128 : i32
        %mul3A_203 = arith.muli %add3A_136, %mul3A_202 : i32
        %dma_start3A = arith.constant 4 : i32
        %dma_start3A_204 = arith.constant 0 : i32
        %dma_start3A_205 = arith.constant 0 : i32
        %dma_start3A_206 = tpu.memref_slice %arg6[%dma_start3A, %dma_start3A_204, %dma_start3A_205] : memref<6x128x128xf32, #tpu.memory_space<vmem>> -> memref<1x128x128xf32, #tpu.memory_space<vmem>>
        %dma_start3A_207 = tpu.memref_squeeze %dma_start3A_206 : memref<1x128x128xf32, #tpu.memory_space<vmem>> -> memref<128x128xf32, #tpu.memory_space<vmem>>
        %dma_start3A_208 = tpu.memref_slice %arg5[%mul3A_203] : memref<31360xi32, #tpu.memory_space<vmem>> -> memref<128xi32, #tpu.memory_space<vmem>>
        %dma_start3A_209 = arith.constant 0 : i32
        %dma_start3A_210 = arith.constant 0 : i32
        %dma_start3A_211 = tpu.memref_slice %arg7[%dma_start3A_209, %dma_start3A_210] : memref<119x128xf32, #tpu.memory_space<vmem_shared>> -> memref<119x128xf32, #tpu.memory_space<vmem_shared>>
        tpu.enqueue_indirect_dma source(%dma_start3A_211 : memref<119x128xf32, #tpu.memory_space<vmem_shared>>) target(%dma_start3A_207 : memref<128x128xf32, #tpu.memory_space<vmem>>) offsets(%dma_start3A_208 : memref<128xi32, #tpu.memory_space<vmem>>) semaphore(%arg13 : memref<!tpu.dma_semaphore, #tpu.memory_space<semaphore_mem>>)
      } else {
      }
      %mul3A_141 = arith.constant 6 : i32
      %mul3A_142 = arith.muli %scan3A_100, %mul3A_141 : i32
      %add3A_143 = arith.constant 5 : i32
      %add3A_144 = arith.addi %mul3A_142, %add3A_143 : i32
      %lt3A_145 = arith.cmpi slt, %add3A_144, %select_n3A : i32
      %convert_element_type3A_146 = arith.extui %lt3A_145 : i1 to i32
      %cond3A_147 = arith.constant 0 : i32
      %cond3A_148 = arith.cmpi ne, %convert_element_type3A_146, %cond3A_147 : i32
      scf.if %cond3A_148 {
        %ge3A_197 = arith.constant 1 : i32
        %ge3A_198 = arith.cmpi sge, %scan3A_100, %ge3A_197 : i32
        %convert_element_type3A_199 = arith.extui %ge3A_198 : i1 to i32
        %cond3A_200 = arith.constant 0 : i32
        %cond3A_201 = arith.cmpi ne, %convert_element_type3A_199, %cond3A_200 : i32
        scf.if %cond3A_201 {
          %sub3A = arith.constant 6 : i32
          %sub3A_212 = arith.subi %add3A_144, %sub3A : i32
          %add3A_213 = arith.addi %add3A_6, %sub3A_212 : i32
          %mul3A_214 = arith.constant 128 : i32
          %mul3A_215 = arith.muli %add3A_213, %mul3A_214 : i32
          %dma_wait3A = arith.constant 5 : i32
          %dma_wait3A_216 = arith.constant 0 : i32
          %dma_wait3A_217 = arith.constant 0 : i32
          %dma_wait3A_218 = tpu.memref_slice %arg6[%dma_wait3A, %dma_wait3A_216, %dma_wait3A_217] : memref<6x128x128xf32, #tpu.memory_space<vmem>> -> memref<1x128x128xf32, #tpu.memory_space<vmem>>
          %dma_wait3A_219 = tpu.memref_squeeze %dma_wait3A_218 : memref<1x128x128xf32, #tpu.memory_space<vmem>> -> memref<128x128xf32, #tpu.memory_space<vmem>>
          %dma_wait3A_220 = arith.constant 0 : i32
          %dma_wait3A_221 = tpu.memref_slice %arg4[%mul3A_215, %dma_wait3A_220] : memref<1000000x128xf32, #tpu.memory_space<hbm>> -> memref<128x128xf32, #tpu.memory_space<hbm>>
          %dma_wait3A_222 = arith.constant 0 : i32
          %dma_wait3A_223 = tpu.memref_slice %arg4[%mul3A_215, %dma_wait3A_222] : memref<1000000x128xf32, #tpu.memory_space<hbm>> -> memref<128x128xf32, #tpu.memory_space<hbm>>
          %dma_wait3A_224 = arith.constant 0 : i32
          %dma_wait3A_225 = arith.constant 0 : i32
          %dma_wait3A_226 = tpu.memref_slice %arg6[%dma_wait3A, %dma_wait3A_224, %dma_wait3A_225] : memref<6x128x128xf32, #tpu.memory_space<vmem>> -> memref<1x128x128xf32, #tpu.memory_space<vmem>>
          %dma_wait3A_227 = tpu.memref_squeeze %dma_wait3A_226 : memref<1x128x128xf32, #tpu.memory_space<vmem>> -> memref<128x128xf32, #tpu.memory_space<vmem>>
          tpu.wait_dma2 semaphore(%arg20 : memref<!tpu.dma_semaphore, #tpu.memory_space<semaphore_mem>>) src(%dma_wait3A_227 : memref<128x128xf32, #tpu.memory_space<vmem>>) dst(%dma_wait3A_223 : memref<128x128xf32, #tpu.memory_space<hbm>>)
        } else {
        }
        %mul3A_202 = arith.constant 128 : i32
        %mul3A_203 = arith.muli %add3A_144, %mul3A_202 : i32
        %dma_start3A = arith.constant 5 : i32
        %dma_start3A_204 = arith.constant 0 : i32
        %dma_start3A_205 = arith.constant 0 : i32
        %dma_start3A_206 = tpu.memref_slice %arg6[%dma_start3A, %dma_start3A_204, %dma_start3A_205] : memref<6x128x128xf32, #tpu.memory_space<vmem>> -> memref<1x128x128xf32, #tpu.memory_space<vmem>>
        %dma_start3A_207 = tpu.memref_squeeze %dma_start3A_206 : memref<1x128x128xf32, #tpu.memory_space<vmem>> -> memref<128x128xf32, #tpu.memory_space<vmem>>
        %dma_start3A_208 = tpu.memref_slice %arg5[%mul3A_203] : memref<31360xi32, #tpu.memory_space<vmem>> -> memref<128xi32, #tpu.memory_space<vmem>>
        %dma_start3A_209 = arith.constant 0 : i32
        %dma_start3A_210 = arith.constant 0 : i32
        %dma_start3A_211 = tpu.memref_slice %arg7[%dma_start3A_209, %dma_start3A_210] : memref<119x128xf32, #tpu.memory_space<vmem_shared>> -> memref<119x128xf32, #tpu.memory_space<vmem_shared>>
        tpu.enqueue_indirect_dma source(%dma_start3A_211 : memref<119x128xf32, #tpu.memory_space<vmem_shared>>) target(%dma_start3A_207 : memref<128x128xf32, #tpu.memory_space<vmem>>) offsets(%dma_start3A_208 : memref<128xi32, #tpu.memory_space<vmem>>) semaphore(%arg14 : memref<!tpu.dma_semaphore, #tpu.memory_space<semaphore_mem>>)
      } else {
      }
      %mul3A_149 = arith.constant 6 : i32
      %mul3A_150 = arith.muli %scan3A_100, %mul3A_149 : i32
      %add3A_151 = arith.constant 0 : i32
      %add3A_152 = arith.addi %mul3A_150, %add3A_151 : i32
      %lt3A_153 = arith.cmpi slt, %add3A_152, %select_n3A : i32
      %convert_element_type3A_154 = arith.extui %lt3A_153 : i1 to i32
      %cond3A_155 = arith.constant 0 : i32
      %cond3A_156 = arith.cmpi ne, %convert_element_type3A_154, %cond3A_155 : i32
      scf.if %cond3A_156 {
        %mul3A_197 = arith.constant 128 : i32
        %mul3A_198 = arith.muli %add3A_152, %mul3A_197 : i32
        %dma_wait3A = arith.constant 0 : i32
        %dma_wait3A_199 = arith.constant 0 : i32
        %dma_wait3A_200 = arith.constant 0 : i32
        %dma_wait3A_201 = tpu.memref_slice %arg6[%dma_wait3A, %dma_wait3A_199, %dma_wait3A_200] : memref<6x128x128xf32, #tpu.memory_space<vmem>> -> memref<1x128x128xf32, #tpu.memory_space<vmem>>
        %dma_wait3A_202 = tpu.memref_squeeze %dma_wait3A_201 : memref<1x128x128xf32, #tpu.memory_space<vmem>> -> memref<128x128xf32, #tpu.memory_space<vmem>>
        %dma_wait3A_203 = tpu.memref_slice %arg5[%mul3A_198] : memref<31360xi32, #tpu.memory_space<vmem>> -> memref<128xi32, #tpu.memory_space<vmem>>
        %dma_wait3A_204 = arith.constant 0 : i32
        %dma_wait3A_205 = arith.constant 0 : i32
        %dma_wait3A_206 = tpu.memref_slice %arg7[%dma_wait3A_204, %dma_wait3A_205] : memref<119x128xf32, #tpu.memory_space<vmem_shared>> -> memref<119x128xf32, #tpu.memory_space<vmem_shared>>
        tpu.wait_indirect_dma semaphore(%arg9 : memref<!tpu.dma_semaphore, #tpu.memory_space<semaphore_mem>>) src(%dma_wait3A_206 : memref<119x128xf32, #tpu.memory_space<vmem_shared>>) dst(%dma_wait3A_202 : memref<128x128xf32, #tpu.memory_space<vmem>>)
        %add3A_207 = arith.addi %add3A_6, %add3A_152 : i32
        %mul3A_208 = arith.constant 128 : i32
        %mul3A_209 = arith.muli %add3A_207, %mul3A_208 : i32
        %dma_start3A = arith.constant 0 : i32
        %dma_start3A_210 = arith.constant 0 : i32
        %dma_start3A_211 = arith.constant 0 : i32
        %dma_start3A_212 = tpu.memref_slice %arg6[%dma_start3A, %dma_start3A_210, %dma_start3A_211] : memref<6x128x128xf32, #tpu.memory_space<vmem>> -> memref<1x128x128xf32, #tpu.memory_space<vmem>>
        %dma_start3A_213 = tpu.memref_squeeze %dma_start3A_212 : memref<1x128x128xf32, #tpu.memory_space<vmem>> -> memref<128x128xf32, #tpu.memory_space<vmem>>
        %dma_start3A_214 = arith.constant 0 : i32
        %dma_start3A_215 = tpu.memref_slice %arg4[%mul3A_209, %dma_start3A_214] : memref<1000000x128xf32, #tpu.memory_space<hbm>> -> memref<128x128xf32, #tpu.memory_space<hbm>>
        %dma_start3A_216 = arith.constant 0 : i32
        %dma_start3A_217 = tpu.memref_slice %arg4[%mul3A_209, %dma_start3A_216] : memref<1000000x128xf32, #tpu.memory_space<hbm>> -> memref<128x128xf32, #tpu.memory_space<hbm>>
        %dma_start3A_218 = arith.constant 0 : i32
        %dma_start3A_219 = arith.constant 0 : i32
        %dma_start3A_220 = tpu.memref_slice %arg6[%dma_start3A, %dma_start3A_218, %dma_start3A_219] : memref<6x128x128xf32, #tpu.memory_space<vmem>> -> memref<1x128x128xf32, #tpu.memory_space<vmem>>
        %dma_start3A_221 = tpu.memref_squeeze %dma_start3A_220 : memref<1x128x128xf32, #tpu.memory_space<vmem>> -> memref<128x128xf32, #tpu.memory_space<vmem>>
        tpu.enqueue_dma source(%dma_start3A_221 : memref<128x128xf32, #tpu.memory_space<vmem>>) target(%dma_start3A_217 : memref<128x128xf32, #tpu.memory_space<hbm>>) target_semaphore(%arg15 : memref<!tpu.dma_semaphore, #tpu.memory_space<semaphore_mem>>)
      } else {
      }
      %mul3A_157 = arith.constant 6 : i32
      %mul3A_158 = arith.muli %scan3A_100, %mul3A_157 : i32
      %add3A_159 = arith.constant 1 : i32
      %add3A_160 = arith.addi %mul3A_158, %add3A_159 : i32
      %lt3A_161 = arith.cmpi slt, %add3A_160, %select_n3A : i32
      %convert_element_type3A_162 = arith.extui %lt3A_161 : i1 to i32
      %cond3A_163 = arith.constant 0 : i32
      %cond3A_164 = arith.cmpi ne, %convert_element_type3A_162, %cond3A_163 : i32
      scf.if %cond3A_164 {
        %mul3A_197 = arith.constant 128 : i32
        %mul3A_198 = arith.muli %add3A_160, %mul3A_197 : i32
        %dma_wait3A = arith.constant 1 : i32
        %dma_wait3A_199 = arith.constant 0 : i32
        %dma_wait3A_200 = arith.constant 0 : i32
        %dma_wait3A_201 = tpu.memref_slice %arg6[%dma_wait3A, %dma_wait3A_199, %dma_wait3A_200] : memref<6x128x128xf32, #tpu.memory_space<vmem>> -> memref<1x128x128xf32, #tpu.memory_space<vmem>>
        %dma_wait3A_202 = tpu.memref_squeeze %dma_wait3A_201 : memref<1x128x128xf32, #tpu.memory_space<vmem>> -> memref<128x128xf32, #tpu.memory_space<vmem>>
        %dma_wait3A_203 = tpu.memref_slice %arg5[%mul3A_198] : memref<31360xi32, #tpu.memory_space<vmem>> -> memref<128xi32, #tpu.memory_space<vmem>>
        %dma_wait3A_204 = arith.constant 0 : i32
        %dma_wait3A_205 = arith.constant 0 : i32
        %dma_wait3A_206 = tpu.memref_slice %arg7[%dma_wait3A_204, %dma_wait3A_205] : memref<119x128xf32, #tpu.memory_space<vmem_shared>> -> memref<119x128xf32, #tpu.memory_space<vmem_shared>>
        tpu.wait_indirect_dma semaphore(%arg10 : memref<!tpu.dma_semaphore, #tpu.memory_space<semaphore_mem>>) src(%dma_wait3A_206 : memref<119x128xf32, #tpu.memory_space<vmem_shared>>) dst(%dma_wait3A_202 : memref<128x128xf32, #tpu.memory_space<vmem>>)
        %add3A_207 = arith.addi %add3A_6, %add3A_160 : i32
        %mul3A_208 = arith.constant 128 : i32
        %mul3A_209 = arith.muli %add3A_207, %mul3A_208 : i32
        %dma_start3A = arith.constant 1 : i32
        %dma_start3A_210 = arith.constant 0 : i32
        %dma_start3A_211 = arith.constant 0 : i32
        %dma_start3A_212 = tpu.memref_slice %arg6[%dma_start3A, %dma_start3A_210, %dma_start3A_211] : memref<6x128x128xf32, #tpu.memory_space<vmem>> -> memref<1x128x128xf32, #tpu.memory_space<vmem>>
        %dma_start3A_213 = tpu.memref_squeeze %dma_start3A_212 : memref<1x128x128xf32, #tpu.memory_space<vmem>> -> memref<128x128xf32, #tpu.memory_space<vmem>>
        %dma_start3A_214 = arith.constant 0 : i32
        %dma_start3A_215 = tpu.memref_slice %arg4[%mul3A_209, %dma_start3A_214] : memref<1000000x128xf32, #tpu.memory_space<hbm>> -> memref<128x128xf32, #tpu.memory_space<hbm>>
        %dma_start3A_216 = arith.constant 0 : i32
        %dma_start3A_217 = tpu.memref_slice %arg4[%mul3A_209, %dma_start3A_216] : memref<1000000x128xf32, #tpu.memory_space<hbm>> -> memref<128x128xf32, #tpu.memory_space<hbm>>
        %dma_start3A_218 = arith.constant 0 : i32
        %dma_start3A_219 = arith.constant 0 : i32
        %dma_start3A_220 = tpu.memref_slice %arg6[%dma_start3A, %dma_start3A_218, %dma_start3A_219] : memref<6x128x128xf32, #tpu.memory_space<vmem>> -> memref<1x128x128xf32, #tpu.memory_space<vmem>>
        %dma_start3A_221 = tpu.memref_squeeze %dma_start3A_220 : memref<1x128x128xf32, #tpu.memory_space<vmem>> -> memref<128x128xf32, #tpu.memory_space<vmem>>
        tpu.enqueue_dma source(%dma_start3A_221 : memref<128x128xf32, #tpu.memory_space<vmem>>) target(%dma_start3A_217 : memref<128x128xf32, #tpu.memory_space<hbm>>) target_semaphore(%arg16 : memref<!tpu.dma_semaphore, #tpu.memory_space<semaphore_mem>>)
      } else {
      }
      %mul3A_165 = arith.constant 6 : i32
      %mul3A_166 = arith.muli %scan3A_100, %mul3A_165 : i32
      %add3A_167 = arith.constant 2 : i32
      %add3A_168 = arith.addi %mul3A_166, %add3A_167 : i32
      %lt3A_169 = arith.cmpi slt, %add3A_168, %select_n3A : i32
      %convert_element_type3A_170 = arith.extui %lt3A_169 : i1 to i32
      %cond3A_171 = arith.constant 0 : i32
      %cond3A_172 = arith.cmpi ne, %convert_element_type3A_170, %cond3A_171 : i32
      scf.if %cond3A_172 {
        %mul3A_197 = arith.constant 128 : i32
        %mul3A_198 = arith.muli %add3A_168, %mul3A_197 : i32
        %dma_wait3A = arith.constant 2 : i32
        %dma_wait3A_199 = arith.constant 0 : i32
        %dma_wait3A_200 = arith.constant 0 : i32
        %dma_wait3A_201 = tpu.memref_slice %arg6[%dma_wait3A, %dma_wait3A_199, %dma_wait3A_200] : memref<6x128x128xf32, #tpu.memory_space<vmem>> -> memref<1x128x128xf32, #tpu.memory_space<vmem>>
        %dma_wait3A_202 = tpu.memref_squeeze %dma_wait3A_201 : memref<1x128x128xf32, #tpu.memory_space<vmem>> -> memref<128x128xf32, #tpu.memory_space<vmem>>
        %dma_wait3A_203 = tpu.memref_slice %arg5[%mul3A_198] : memref<31360xi32, #tpu.memory_space<vmem>> -> memref<128xi32, #tpu.memory_space<vmem>>
        %dma_wait3A_204 = arith.constant 0 : i32
        %dma_wait3A_205 = arith.constant 0 : i32
        %dma_wait3A_206 = tpu.memref_slice %arg7[%dma_wait3A_204, %dma_wait3A_205] : memref<119x128xf32, #tpu.memory_space<vmem_shared>> -> memref<119x128xf32, #tpu.memory_space<vmem_shared>>
        tpu.wait_indirect_dma semaphore(%arg11 : memref<!tpu.dma_semaphore, #tpu.memory_space<semaphore_mem>>) src(%dma_wait3A_206 : memref<119x128xf32, #tpu.memory_space<vmem_shared>>) dst(%dma_wait3A_202 : memref<128x128xf32, #tpu.memory_space<vmem>>)
        %add3A_207 = arith.addi %add3A_6, %add3A_168 : i32
        %mul3A_208 = arith.constant 128 : i32
        %mul3A_209 = arith.muli %add3A_207, %mul3A_208 : i32
        %dma_start3A = arith.constant 2 : i32
        %dma_start3A_210 = arith.constant 0 : i32
        %dma_start3A_211 = arith.constant 0 : i32
        %dma_start3A_212 = tpu.memref_slice %arg6[%dma_start3A, %dma_start3A_210, %dma_start3A_211] : memref<6x128x128xf32, #tpu.memory_space<vmem>> -> memref<1x128x128xf32, #tpu.memory_space<vmem>>
        %dma_start3A_213 = tpu.memref_squeeze %dma_start3A_212 : memref<1x128x128xf32, #tpu.memory_space<vmem>> -> memref<128x128xf32, #tpu.memory_space<vmem>>
        %dma_start3A_214 = arith.constant 0 : i32
        %dma_start3A_215 = tpu.memref_slice %arg4[%mul3A_209, %dma_start3A_214] : memref<1000000x128xf32, #tpu.memory_space<hbm>> -> memref<128x128xf32, #tpu.memory_space<hbm>>
        %dma_start3A_216 = arith.constant 0 : i32
        %dma_start3A_217 = tpu.memref_slice %arg4[%mul3A_209, %dma_start3A_216] : memref<1000000x128xf32, #tpu.memory_space<hbm>> -> memref<128x128xf32, #tpu.memory_space<hbm>>
        %dma_start3A_218 = arith.constant 0 : i32
        %dma_start3A_219 = arith.constant 0 : i32
        %dma_start3A_220 = tpu.memref_slice %arg6[%dma_start3A, %dma_start3A_218, %dma_start3A_219] : memref<6x128x128xf32, #tpu.memory_space<vmem>> -> memref<1x128x128xf32, #tpu.memory_space<vmem>>
        %dma_start3A_221 = tpu.memref_squeeze %dma_start3A_220 : memref<1x128x128xf32, #tpu.memory_space<vmem>> -> memref<128x128xf32, #tpu.memory_space<vmem>>
        tpu.enqueue_dma source(%dma_start3A_221 : memref<128x128xf32, #tpu.memory_space<vmem>>) target(%dma_start3A_217 : memref<128x128xf32, #tpu.memory_space<hbm>>) target_semaphore(%arg17 : memref<!tpu.dma_semaphore, #tpu.memory_space<semaphore_mem>>)
      } else {
      }
      %mul3A_173 = arith.constant 6 : i32
      %mul3A_174 = arith.muli %scan3A_100, %mul3A_173 : i32
      %add3A_175 = arith.constant 3 : i32
      %add3A_176 = arith.addi %mul3A_174, %add3A_175 : i32
      %lt3A_177 = arith.cmpi slt, %add3A_176, %select_n3A : i32
      %convert_element_type3A_178 = arith.extui %lt3A_177 : i1 to i32
      %cond3A_179 = arith.constant 0 : i32
      %cond3A_180 = arith.cmpi ne, %convert_element_type3A_178, %cond3A_179 : i32
      scf.if %cond3A_180 {
        %mul3A_197 = arith.constant 128 : i32
        %mul3A_198 = arith.muli %add3A_176, %mul3A_197 : i32
        %dma_wait3A = arith.constant 3 : i32
        %dma_wait3A_199 = arith.constant 0 : i32
        %dma_wait3A_200 = arith.constant 0 : i32
        %dma_wait3A_201 = tpu.memref_slice %arg6[%dma_wait3A, %dma_wait3A_199, %dma_wait3A_200] : memref<6x128x128xf32, #tpu.memory_space<vmem>> -> memref<1x128x128xf32, #tpu.memory_space<vmem>>
        %dma_wait3A_202 = tpu.memref_squeeze %dma_wait3A_201 : memref<1x128x128xf32, #tpu.memory_space<vmem>> -> memref<128x128xf32, #tpu.memory_space<vmem>>
        %dma_wait3A_203 = tpu.memref_slice %arg5[%mul3A_198] : memref<31360xi32, #tpu.memory_space<vmem>> -> memref<128xi32, #tpu.memory_space<vmem>>
        %dma_wait3A_204 = arith.constant 0 : i32
        %dma_wait3A_205 = arith.constant 0 : i32
        %dma_wait3A_206 = tpu.memref_slice %arg7[%dma_wait3A_204, %dma_wait3A_205] : memref<119x128xf32, #tpu.memory_space<vmem_shared>> -> memref<119x128xf32, #tpu.memory_space<vmem_shared>>
        tpu.wait_indirect_dma semaphore(%arg12 : memref<!tpu.dma_semaphore, #tpu.memory_space<semaphore_mem>>) src(%dma_wait3A_206 : memref<119x128xf32, #tpu.memory_space<vmem_shared>>) dst(%dma_wait3A_202 : memref<128x128xf32, #tpu.memory_space<vmem>>)
        %add3A_207 = arith.addi %add3A_6, %add3A_176 : i32
        %mul3A_208 = arith.constant 128 : i32
        %mul3A_209 = arith.muli %add3A_207, %mul3A_208 : i32
        %dma_start3A = arith.constant 3 : i32
        %dma_start3A_210 = arith.constant 0 : i32
        %dma_start3A_211 = arith.constant 0 : i32
        %dma_start3A_212 = tpu.memref_slice %arg6[%dma_start3A, %dma_start3A_210, %dma_start3A_211] : memref<6x128x128xf32, #tpu.memory_space<vmem>> -> memref<1x128x128xf32, #tpu.memory_space<vmem>>
        %dma_start3A_213 = tpu.memref_squeeze %dma_start3A_212 : memref<1x128x128xf32, #tpu.memory_space<vmem>> -> memref<128x128xf32, #tpu.memory_space<vmem>>
        %dma_start3A_214 = arith.constant 0 : i32
        %dma_start3A_215 = tpu.memref_slice %arg4[%mul3A_209, %dma_start3A_214] : memref<1000000x128xf32, #tpu.memory_space<hbm>> -> memref<128x128xf32, #tpu.memory_space<hbm>>
        %dma_start3A_216 = arith.constant 0 : i32
        %dma_start3A_217 = tpu.memref_slice %arg4[%mul3A_209, %dma_start3A_216] : memref<1000000x128xf32, #tpu.memory_space<hbm>> -> memref<128x128xf32, #tpu.memory_space<hbm>>
        %dma_start3A_218 = arith.constant 0 : i32
        %dma_start3A_219 = arith.constant 0 : i32
        %dma_start3A_220 = tpu.memref_slice %arg6[%dma_start3A, %dma_start3A_218, %dma_start3A_219] : memref<6x128x128xf32, #tpu.memory_space<vmem>> -> memref<1x128x128xf32, #tpu.memory_space<vmem>>
        %dma_start3A_221 = tpu.memref_squeeze %dma_start3A_220 : memref<1x128x128xf32, #tpu.memory_space<vmem>> -> memref<128x128xf32, #tpu.memory_space<vmem>>
        tpu.enqueue_dma source(%dma_start3A_221 : memref<128x128xf32, #tpu.memory_space<vmem>>) target(%dma_start3A_217 : memref<128x128xf32, #tpu.memory_space<hbm>>) target_semaphore(%arg18 : memref<!tpu.dma_semaphore, #tpu.memory_space<semaphore_mem>>)
      } else {
      }
      %mul3A_181 = arith.constant 6 : i32
      %mul3A_182 = arith.muli %scan3A_100, %mul3A_181 : i32
      %add3A_183 = arith.constant 4 : i32
      %add3A_184 = arith.addi %mul3A_182, %add3A_183 : i32
      %lt3A_185 = arith.cmpi slt, %add3A_184, %select_n3A : i32
      %convert_element_type3A_186 = arith.extui %lt3A_185 : i1 to i32
      %cond3A_187 = arith.constant 0 : i32
      %cond3A_188 = arith.cmpi ne, %convert_element_type3A_186, %cond3A_187 : i32
      scf.if %cond3A_188 {
        %mul3A_197 = arith.constant 128 : i32
        %mul3A_198 = arith.muli %add3A_184, %mul3A_197 : i32
        %dma_wait3A = arith.constant 4 : i32
        %dma_wait3A_199 = arith.constant 0 : i32
        %dma_wait3A_200 = arith.constant 0 : i32
        %dma_wait3A_201 = tpu.memref_slice %arg6[%dma_wait3A, %dma_wait3A_199, %dma_wait3A_200] : memref<6x128x128xf32, #tpu.memory_space<vmem>> -> memref<1x128x128xf32, #tpu.memory_space<vmem>>
        %dma_wait3A_202 = tpu.memref_squeeze %dma_wait3A_201 : memref<1x128x128xf32, #tpu.memory_space<vmem>> -> memref<128x128xf32, #tpu.memory_space<vmem>>
        %dma_wait3A_203 = tpu.memref_slice %arg5[%mul3A_198] : memref<31360xi32, #tpu.memory_space<vmem>> -> memref<128xi32, #tpu.memory_space<vmem>>
        %dma_wait3A_204 = arith.constant 0 : i32
        %dma_wait3A_205 = arith.constant 0 : i32
        %dma_wait3A_206 = tpu.memref_slice %arg7[%dma_wait3A_204, %dma_wait3A_205] : memref<119x128xf32, #tpu.memory_space<vmem_shared>> -> memref<119x128xf32, #tpu.memory_space<vmem_shared>>
        tpu.wait_indirect_dma semaphore(%arg13 : memref<!tpu.dma_semaphore, #tpu.memory_space<semaphore_mem>>) src(%dma_wait3A_206 : memref<119x128xf32, #tpu.memory_space<vmem_shared>>) dst(%dma_wait3A_202 : memref<128x128xf32, #tpu.memory_space<vmem>>)
        %add3A_207 = arith.addi %add3A_6, %add3A_184 : i32
        %mul3A_208 = arith.constant 128 : i32
        %mul3A_209 = arith.muli %add3A_207, %mul3A_208 : i32
        %dma_start3A = arith.constant 4 : i32
        %dma_start3A_210 = arith.constant 0 : i32
        %dma_start3A_211 = arith.constant 0 : i32
        %dma_start3A_212 = tpu.memref_slice %arg6[%dma_start3A, %dma_start3A_210, %dma_start3A_211] : memref<6x128x128xf32, #tpu.memory_space<vmem>> -> memref<1x128x128xf32, #tpu.memory_space<vmem>>
        %dma_start3A_213 = tpu.memref_squeeze %dma_start3A_212 : memref<1x128x128xf32, #tpu.memory_space<vmem>> -> memref<128x128xf32, #tpu.memory_space<vmem>>
        %dma_start3A_214 = arith.constant 0 : i32
        %dma_start3A_215 = tpu.memref_slice %arg4[%mul3A_209, %dma_start3A_214] : memref<1000000x128xf32, #tpu.memory_space<hbm>> -> memref<128x128xf32, #tpu.memory_space<hbm>>
        %dma_start3A_216 = arith.constant 0 : i32
        %dma_start3A_217 = tpu.memref_slice %arg4[%mul3A_209, %dma_start3A_216] : memref<1000000x128xf32, #tpu.memory_space<hbm>> -> memref<128x128xf32, #tpu.memory_space<hbm>>
        %dma_start3A_218 = arith.constant 0 : i32
        %dma_start3A_219 = arith.constant 0 : i32
        %dma_start3A_220 = tpu.memref_slice %arg6[%dma_start3A, %dma_start3A_218, %dma_start3A_219] : memref<6x128x128xf32, #tpu.memory_space<vmem>> -> memref<1x128x128xf32, #tpu.memory_space<vmem>>
        %dma_start3A_221 = tpu.memref_squeeze %dma_start3A_220 : memref<1x128x128xf32, #tpu.memory_space<vmem>> -> memref<128x128xf32, #tpu.memory_space<vmem>>
        tpu.enqueue_dma source(%dma_start3A_221 : memref<128x128xf32, #tpu.memory_space<vmem>>) target(%dma_start3A_217 : memref<128x128xf32, #tpu.memory_space<hbm>>) target_semaphore(%arg19 : memref<!tpu.dma_semaphore, #tpu.memory_space<semaphore_mem>>)
      } else {
      }
      %mul3A_189 = arith.constant 6 : i32
      %mul3A_190 = arith.muli %scan3A_100, %mul3A_189 : i32
      %add3A_191 = arith.constant 5 : i32
      %add3A_192 = arith.addi %mul3A_190, %add3A_191 : i32
      %lt3A_193 = arith.cmpi slt, %add3A_192, %select_n3A : i32
      %convert_element_type3A_194 = arith.extui %lt3A_193 : i1 to i32
      %cond3A_195 = arith.constant 0 : i32
      %cond3A_196 = arith.cmpi ne, %convert_element_type3A_194, %cond3A_195 : i32
      scf.if %cond3A_196 {
        %mul3A_197 = arith.constant 128 : i32
        %mul3A_198 = arith.muli %add3A_192, %mul3A_197 : i32
        %dma_wait3A = arith.constant 5 : i32
        %dma_wait3A_199 = arith.constant 0 : i32
        %dma_wait3A_200 = arith.constant 0 : i32
        %dma_wait3A_201 = tpu.memref_slice %arg6[%dma_wait3A, %dma_wait3A_199, %dma_wait3A_200] : memref<6x128x128xf32, #tpu.memory_space<vmem>> -> memref<1x128x128xf32, #tpu.memory_space<vmem>>
        %dma_wait3A_202 = tpu.memref_squeeze %dma_wait3A_201 : memref<1x128x128xf32, #tpu.memory_space<vmem>> -> memref<128x128xf32, #tpu.memory_space<vmem>>
        %dma_wait3A_203 = tpu.memref_slice %arg5[%mul3A_198] : memref<31360xi32, #tpu.memory_space<vmem>> -> memref<128xi32, #tpu.memory_space<vmem>>
        %dma_wait3A_204 = arith.constant 0 : i32
        %dma_wait3A_205 = arith.constant 0 : i32
        %dma_wait3A_206 = tpu.memref_slice %arg7[%dma_wait3A_204, %dma_wait3A_205] : memref<119x128xf32, #tpu.memory_space<vmem_shared>> -> memref<119x128xf32, #tpu.memory_space<vmem_shared>>
        tpu.wait_indirect_dma semaphore(%arg14 : memref<!tpu.dma_semaphore, #tpu.memory_space<semaphore_mem>>) src(%dma_wait3A_206 : memref<119x128xf32, #tpu.memory_space<vmem_shared>>) dst(%dma_wait3A_202 : memref<128x128xf32, #tpu.memory_space<vmem>>)
        %add3A_207 = arith.addi %add3A_6, %add3A_192 : i32
        %mul3A_208 = arith.constant 128 : i32
        %mul3A_209 = arith.muli %add3A_207, %mul3A_208 : i32
        %dma_start3A = arith.constant 5 : i32
        %dma_start3A_210 = arith.constant 0 : i32
        %dma_start3A_211 = arith.constant 0 : i32
        %dma_start3A_212 = tpu.memref_slice %arg6[%dma_start3A, %dma_start3A_210, %dma_start3A_211] : memref<6x128x128xf32, #tpu.memory_space<vmem>> -> memref<1x128x128xf32, #tpu.memory_space<vmem>>
        %dma_start3A_213 = tpu.memref_squeeze %dma_start3A_212 : memref<1x128x128xf32, #tpu.memory_space<vmem>> -> memref<128x128xf32, #tpu.memory_space<vmem>>
        %dma_start3A_214 = arith.constant 0 : i32
        %dma_start3A_215 = tpu.memref_slice %arg4[%mul3A_209, %dma_start3A_214] : memref<1000000x128xf32, #tpu.memory_space<hbm>> -> memref<128x128xf32, #tpu.memory_space<hbm>>
        %dma_start3A_216 = arith.constant 0 : i32
        %dma_start3A_217 = tpu.memref_slice %arg4[%mul3A_209, %dma_start3A_216] : memref<1000000x128xf32, #tpu.memory_space<hbm>> -> memref<128x128xf32, #tpu.memory_space<hbm>>
        %dma_start3A_218 = arith.constant 0 : i32
        %dma_start3A_219 = arith.constant 0 : i32
        %dma_start3A_220 = tpu.memref_slice %arg6[%dma_start3A, %dma_start3A_218, %dma_start3A_219] : memref<6x128x128xf32, #tpu.memory_space<vmem>> -> memref<1x128x128xf32, #tpu.memory_space<vmem>>
        %dma_start3A_221 = tpu.memref_squeeze %dma_start3A_220 : memref<1x128x128xf32, #tpu.memory_space<vmem>> -> memref<128x128xf32, #tpu.memory_space<vmem>>
        tpu.enqueue_dma source(%dma_start3A_221 : memref<128x128xf32, #tpu.memory_space<vmem>>) target(%dma_start3A_217 : memref<128x128xf32, #tpu.memory_space<hbm>>) target_semaphore(%arg20 : memref<!tpu.dma_semaphore, #tpu.memory_space<semaphore_mem>>)
      } else {
      }
    }
    %scan3A_25 = arith.constant 41 : i32
    %gt3A = arith.constant 240 : i32
    %gt3A_26 = arith.cmpi sgt, %select_n3A, %gt3A : i32
    %jit3A_27 = arith.constant 240 : i32
    %jit3A_28 = arith.constant 234 : i32
    %select_n3A_29 = arith.select %gt3A_26, %jit3A_27, %jit3A_28 : i32
    %ge3A = arith.constant 0 : i32
    %ge3A_30 = arith.cmpi sge, %select_n3A_29, %ge3A : i32
    %lt3A_31 = arith.cmpi slt, %select_n3A_29, %select_n3A : i32
    %and3A = arith.andi %ge3A_30, %lt3A_31 : i1
    %convert_element_type3A_32 = arith.extui %and3A : i1 to i32
    %cond3A_33 = arith.constant 0 : i32
    %cond3A_34 = arith.cmpi ne, %convert_element_type3A_32, %cond3A_33 : i32
    scf.if %cond3A_34 {
      %add3A_100 = arith.addi %add3A_6, %select_n3A_29 : i32
      %mul3A_101 = arith.constant 128 : i32
      %mul3A_102 = arith.muli %add3A_100, %mul3A_101 : i32
      %dma_wait3A = arith.constant 0 : i32
      %dma_wait3A_103 = arith.constant 0 : i32
      %dma_wait3A_104 = arith.constant 0 : i32
      %dma_wait3A_105 = tpu.memref_slice %arg6[%dma_wait3A, %dma_wait3A_103, %dma_wait3A_104] : memref<6x128x128xf32, #tpu.memory_space<vmem>> -> memref<1x128x128xf32, #tpu.memory_space<vmem>>
      %dma_wait3A_106 = tpu.memref_squeeze %dma_wait3A_105 : memref<1x128x128xf32, #tpu.memory_space<vmem>> -> memref<128x128xf32, #tpu.memory_space<vmem>>
      %dma_wait3A_107 = arith.constant 0 : i32
      %dma_wait3A_108 = tpu.memref_slice %arg4[%mul3A_102, %dma_wait3A_107] : memref<1000000x128xf32, #tpu.memory_space<hbm>> -> memref<128x128xf32, #tpu.memory_space<hbm>>
      %dma_wait3A_109 = arith.constant 0 : i32
      %dma_wait3A_110 = tpu.memref_slice %arg4[%mul3A_102, %dma_wait3A_109] : memref<1000000x128xf32, #tpu.memory_space<hbm>> -> memref<128x128xf32, #tpu.memory_space<hbm>>
      %dma_wait3A_111 = arith.constant 0 : i32
      %dma_wait3A_112 = arith.constant 0 : i32
      %dma_wait3A_113 = tpu.memref_slice %arg6[%dma_wait3A, %dma_wait3A_111, %dma_wait3A_112] : memref<6x128x128xf32, #tpu.memory_space<vmem>> -> memref<1x128x128xf32, #tpu.memory_space<vmem>>
      %dma_wait3A_114 = tpu.memref_squeeze %dma_wait3A_113 : memref<1x128x128xf32, #tpu.memory_space<vmem>> -> memref<128x128xf32, #tpu.memory_space<vmem>>
      tpu.wait_dma2 semaphore(%arg15 : memref<!tpu.dma_semaphore, #tpu.memory_space<semaphore_mem>>) src(%dma_wait3A_114 : memref<128x128xf32, #tpu.memory_space<vmem>>) dst(%dma_wait3A_110 : memref<128x128xf32, #tpu.memory_space<hbm>>)
    } else {
    }
    %gt3A_35 = arith.constant 241 : i32
    %gt3A_36 = arith.cmpi sgt, %select_n3A, %gt3A_35 : i32
    %jit3A_37 = arith.constant 241 : i32
    %jit3A_38 = arith.constant 235 : i32
    %select_n3A_39 = arith.select %gt3A_36, %jit3A_37, %jit3A_38 : i32
    %ge3A_40 = arith.constant 0 : i32
    %ge3A_41 = arith.cmpi sge, %select_n3A_39, %ge3A_40 : i32
    %lt3A_42 = arith.cmpi slt, %select_n3A_39, %select_n3A : i32
    %and3A_43 = arith.andi %ge3A_41, %lt3A_42 : i1
    %convert_element_type3A_44 = arith.extui %and3A_43 : i1 to i32
    %cond3A_45 = arith.constant 0 : i32
    %cond3A_46 = arith.cmpi ne, %convert_element_type3A_44, %cond3A_45 : i32
    scf.if %cond3A_46 {
      %add3A_100 = arith.addi %add3A_6, %select_n3A_39 : i32
      %mul3A_101 = arith.constant 128 : i32
      %mul3A_102 = arith.muli %add3A_100, %mul3A_101 : i32
      %dma_wait3A = arith.constant 1 : i32
      %dma_wait3A_103 = arith.constant 0 : i32
      %dma_wait3A_104 = arith.constant 0 : i32
      %dma_wait3A_105 = tpu.memref_slice %arg6[%dma_wait3A, %dma_wait3A_103, %dma_wait3A_104] : memref<6x128x128xf32, #tpu.memory_space<vmem>> -> memref<1x128x128xf32, #tpu.memory_space<vmem>>
      %dma_wait3A_106 = tpu.memref_squeeze %dma_wait3A_105 : memref<1x128x128xf32, #tpu.memory_space<vmem>> -> memref<128x128xf32, #tpu.memory_space<vmem>>
      %dma_wait3A_107 = arith.constant 0 : i32
      %dma_wait3A_108 = tpu.memref_slice %arg4[%mul3A_102, %dma_wait3A_107] : memref<1000000x128xf32, #tpu.memory_space<hbm>> -> memref<128x128xf32, #tpu.memory_space<hbm>>
      %dma_wait3A_109 = arith.constant 0 : i32
      %dma_wait3A_110 = tpu.memref_slice %arg4[%mul3A_102, %dma_wait3A_109] : memref<1000000x128xf32, #tpu.memory_space<hbm>> -> memref<128x128xf32, #tpu.memory_space<hbm>>
      %dma_wait3A_111 = arith.constant 0 : i32
      %dma_wait3A_112 = arith.constant 0 : i32
      %dma_wait3A_113 = tpu.memref_slice %arg6[%dma_wait3A, %dma_wait3A_111, %dma_wait3A_112] : memref<6x128x128xf32, #tpu.memory_space<vmem>> -> memref<1x128x128xf32, #tpu.memory_space<vmem>>
      %dma_wait3A_114 = tpu.memref_squeeze %dma_wait3A_113 : memref<1x128x128xf32, #tpu.memory_space<vmem>> -> memref<128x128xf32, #tpu.memory_space<vmem>>
      tpu.wait_dma2 semaphore(%arg16 : memref<!tpu.dma_semaphore, #tpu.memory_space<semaphore_mem>>) src(%dma_wait3A_114 : memref<128x128xf32, #tpu.memory_space<vmem>>) dst(%dma_wait3A_110 : memref<128x128xf32, #tpu.memory_space<hbm>>)
    } else {
    }
    %gt3A_47 = arith.constant 242 : i32
    %gt3A_48 = arith.cmpi sgt, %select_n3A, %gt3A_47 : i32
    %jit3A_49 = arith.constant 242 : i32
    %jit3A_50 = arith.constant 236 : i32
    %select_n3A_51 = arith.select %gt3A_48, %jit3A_49, %jit3A_50 : i32
    %ge3A_52 = arith.constant 0 : i32
    %ge3A_53 = arith.cmpi sge, %select_n3A_51, %ge3A_52 : i32
    %lt3A_54 = arith.cmpi slt, %select_n3A_51, %select_n3A : i32
    %and3A_55 = arith.andi %ge3A_53, %lt3A_54 : i1
    %convert_element_type3A_56 = arith.extui %and3A_55 : i1 to i32
    %cond3A_57 = arith.constant 0 : i32
    %cond3A_58 = arith.cmpi ne, %convert_element_type3A_56, %cond3A_57 : i32
    scf.if %cond3A_58 {
      %add3A_100 = arith.addi %add3A_6, %select_n3A_51 : i32
      %mul3A_101 = arith.constant 128 : i32
      %mul3A_102 = arith.muli %add3A_100, %mul3A_101 : i32
      %dma_wait3A = arith.constant 2 : i32
      %dma_wait3A_103 = arith.constant 0 : i32
      %dma_wait3A_104 = arith.constant 0 : i32
      %dma_wait3A_105 = tpu.memref_slice %arg6[%dma_wait3A, %dma_wait3A_103, %dma_wait3A_104] : memref<6x128x128xf32, #tpu.memory_space<vmem>> -> memref<1x128x128xf32, #tpu.memory_space<vmem>>
      %dma_wait3A_106 = tpu.memref_squeeze %dma_wait3A_105 : memref<1x128x128xf32, #tpu.memory_space<vmem>> -> memref<128x128xf32, #tpu.memory_space<vmem>>
      %dma_wait3A_107 = arith.constant 0 : i32
      %dma_wait3A_108 = tpu.memref_slice %arg4[%mul3A_102, %dma_wait3A_107] : memref<1000000x128xf32, #tpu.memory_space<hbm>> -> memref<128x128xf32, #tpu.memory_space<hbm>>
      %dma_wait3A_109 = arith.constant 0 : i32
      %dma_wait3A_110 = tpu.memref_slice %arg4[%mul3A_102, %dma_wait3A_109] : memref<1000000x128xf32, #tpu.memory_space<hbm>> -> memref<128x128xf32, #tpu.memory_space<hbm>>
      %dma_wait3A_111 = arith.constant 0 : i32
      %dma_wait3A_112 = arith.constant 0 : i32
      %dma_wait3A_113 = tpu.memref_slice %arg6[%dma_wait3A, %dma_wait3A_111, %dma_wait3A_112] : memref<6x128x128xf32, #tpu.memory_space<vmem>> -> memref<1x128x128xf32, #tpu.memory_space<vmem>>
      %dma_wait3A_114 = tpu.memref_squeeze %dma_wait3A_113 : memref<1x128x128xf32, #tpu.memory_space<vmem>> -> memref<128x128xf32, #tpu.memory_space<vmem>>
      tpu.wait_dma2 semaphore(%arg17 : memref<!tpu.dma_semaphore, #tpu.memory_space<semaphore_mem>>) src(%dma_wait3A_114 : memref<128x128xf32, #tpu.memory_space<vmem>>) dst(%dma_wait3A_110 : memref<128x128xf32, #tpu.memory_space<hbm>>)
    } else {
    }
    %gt3A_59 = arith.constant 243 : i32
    %gt3A_60 = arith.cmpi sgt, %select_n3A, %gt3A_59 : i32
    %jit3A_61 = arith.constant 243 : i32
    %jit3A_62 = arith.constant 237 : i32
    %select_n3A_63 = arith.select %gt3A_60, %jit3A_61, %jit3A_62 : i32
    %ge3A_64 = arith.constant 0 : i32
    %ge3A_65 = arith.cmpi sge, %select_n3A_63, %ge3A_64 : i32
    %lt3A_66 = arith.cmpi slt, %select_n3A_63, %select_n3A : i32
    %and3A_67 = arith.andi %ge3A_65, %lt3A_66 : i1
    %convert_element_type3A_68 = arith.extui %and3A_67 : i1 to i32
    %cond3A_69 = arith.constant 0 : i32
    %cond3A_70 = arith.cmpi ne, %convert_element_type3A_68, %cond3A_69 : i32
    scf.if %cond3A_70 {
      %add3A_100 = arith.addi %add3A_6, %select_n3A_63 : i32
      %mul3A_101 = arith.constant 128 : i32
      %mul3A_102 = arith.muli %add3A_100, %mul3A_101 : i32
      %dma_wait3A = arith.constant 3 : i32
      %dma_wait3A_103 = arith.constant 0 : i32
      %dma_wait3A_104 = arith.constant 0 : i32
      %dma_wait3A_105 = tpu.memref_slice %arg6[%dma_wait3A, %dma_wait3A_103, %dma_wait3A_104] : memref<6x128x128xf32, #tpu.memory_space<vmem>> -> memref<1x128x128xf32, #tpu.memory_space<vmem>>
      %dma_wait3A_106 = tpu.memref_squeeze %dma_wait3A_105 : memref<1x128x128xf32, #tpu.memory_space<vmem>> -> memref<128x128xf32, #tpu.memory_space<vmem>>
      %dma_wait3A_107 = arith.constant 0 : i32
      %dma_wait3A_108 = tpu.memref_slice %arg4[%mul3A_102, %dma_wait3A_107] : memref<1000000x128xf32, #tpu.memory_space<hbm>> -> memref<128x128xf32, #tpu.memory_space<hbm>>
      %dma_wait3A_109 = arith.constant 0 : i32
      %dma_wait3A_110 = tpu.memref_slice %arg4[%mul3A_102, %dma_wait3A_109] : memref<1000000x128xf32, #tpu.memory_space<hbm>> -> memref<128x128xf32, #tpu.memory_space<hbm>>
      %dma_wait3A_111 = arith.constant 0 : i32
      %dma_wait3A_112 = arith.constant 0 : i32
      %dma_wait3A_113 = tpu.memref_slice %arg6[%dma_wait3A, %dma_wait3A_111, %dma_wait3A_112] : memref<6x128x128xf32, #tpu.memory_space<vmem>> -> memref<1x128x128xf32, #tpu.memory_space<vmem>>
      %dma_wait3A_114 = tpu.memref_squeeze %dma_wait3A_113 : memref<1x128x128xf32, #tpu.memory_space<vmem>> -> memref<128x128xf32, #tpu.memory_space<vmem>>
      tpu.wait_dma2 semaphore(%arg18 : memref<!tpu.dma_semaphore, #tpu.memory_space<semaphore_mem>>) src(%dma_wait3A_114 : memref<128x128xf32, #tpu.memory_space<vmem>>) dst(%dma_wait3A_110 : memref<128x128xf32, #tpu.memory_space<hbm>>)
    } else {
    }
    %gt3A_71 = arith.constant 244 : i32
    %gt3A_72 = arith.cmpi sgt, %select_n3A, %gt3A_71 : i32
    %jit3A_73 = arith.constant 244 : i32
    %jit3A_74 = arith.constant 238 : i32
    %select_n3A_75 = arith.select %gt3A_72, %jit3A_73, %jit3A_74 : i32
    %ge3A_76 = arith.constant 0 : i32
    %ge3A_77 = arith.cmpi sge, %select_n3A_75, %ge3A_76 : i32
    %lt3A_78 = arith.cmpi slt, %select_n3A_75, %select_n3A : i32
    %and3A_79 = arith.andi %ge3A_77, %lt3A_78 : i1
    %convert_element_type3A_80 = arith.extui %and3A_79 : i1 to i32
    %cond3A_81 = arith.constant 0 : i32
    %cond3A_82 = arith.cmpi ne, %convert_element_type3A_80, %cond3A_81 : i32
    scf.if %cond3A_82 {
      %add3A_100 = arith.addi %add3A_6, %select_n3A_75 : i32
      %mul3A_101 = arith.constant 128 : i32
      %mul3A_102 = arith.muli %add3A_100, %mul3A_101 : i32
      %dma_wait3A = arith.constant 4 : i32
      %dma_wait3A_103 = arith.constant 0 : i32
      %dma_wait3A_104 = arith.constant 0 : i32
      %dma_wait3A_105 = tpu.memref_slice %arg6[%dma_wait3A, %dma_wait3A_103, %dma_wait3A_104] : memref<6x128x128xf32, #tpu.memory_space<vmem>> -> memref<1x128x128xf32, #tpu.memory_space<vmem>>
      %dma_wait3A_106 = tpu.memref_squeeze %dma_wait3A_105 : memref<1x128x128xf32, #tpu.memory_space<vmem>> -> memref<128x128xf32, #tpu.memory_space<vmem>>
      %dma_wait3A_107 = arith.constant 0 : i32
      %dma_wait3A_108 = tpu.memref_slice %arg4[%mul3A_102, %dma_wait3A_107] : memref<1000000x128xf32, #tpu.memory_space<hbm>> -> memref<128x128xf32, #tpu.memory_space<hbm>>
      %dma_wait3A_109 = arith.constant 0 : i32
      %dma_wait3A_110 = tpu.memref_slice %arg4[%mul3A_102, %dma_wait3A_109] : memref<1000000x128xf32, #tpu.memory_space<hbm>> -> memref<128x128xf32, #tpu.memory_space<hbm>>
      %dma_wait3A_111 = arith.constant 0 : i32
      %dma_wait3A_112 = arith.constant 0 : i32
      %dma_wait3A_113 = tpu.memref_slice %arg6[%dma_wait3A, %dma_wait3A_111, %dma_wait3A_112] : memref<6x128x128xf32, #tpu.memory_space<vmem>> -> memref<1x128x128xf32, #tpu.memory_space<vmem>>
      %dma_wait3A_114 = tpu.memref_squeeze %dma_wait3A_113 : memref<1x128x128xf32, #tpu.memory_space<vmem>> -> memref<128x128xf32, #tpu.memory_space<vmem>>
      tpu.wait_dma2 semaphore(%arg19 : memref<!tpu.dma_semaphore, #tpu.memory_space<semaphore_mem>>) src(%dma_wait3A_114 : memref<128x128xf32, #tpu.memory_space<vmem>>) dst(%dma_wait3A_110 : memref<128x128xf32, #tpu.memory_space<hbm>>)
    } else {
    }
    %gt3A_83 = arith.constant 245 : i32
    %gt3A_84 = arith.cmpi sgt, %select_n3A, %gt3A_83 : i32
    %jit3A_85 = arith.constant 245 : i32
    %jit3A_86 = arith.constant 239 : i32
    %select_n3A_87 = arith.select %gt3A_84, %jit3A_85, %jit3A_86 : i32
    %ge3A_88 = arith.constant 0 : i32
    %ge3A_89 = arith.cmpi sge, %select_n3A_87, %ge3A_88 : i32
    %lt3A_90 = arith.cmpi slt, %select_n3A_87, %select_n3A : i32
    %and3A_91 = arith.andi %ge3A_89, %lt3A_90 : i1
    %convert_element_type3A_92 = arith.extui %and3A_91 : i1 to i32
    %cond3A_93 = arith.constant 0 : i32
    %cond3A_94 = arith.cmpi ne, %convert_element_type3A_92, %cond3A_93 : i32
    scf.if %cond3A_94 {
      %add3A_100 = arith.addi %add3A_6, %select_n3A_87 : i32
      %mul3A_101 = arith.constant 128 : i32
      %mul3A_102 = arith.muli %add3A_100, %mul3A_101 : i32
      %dma_wait3A = arith.constant 5 : i32
      %dma_wait3A_103 = arith.constant 0 : i32
      %dma_wait3A_104 = arith.constant 0 : i32
      %dma_wait3A_105 = tpu.memref_slice %arg6[%dma_wait3A, %dma_wait3A_103, %dma_wait3A_104] : memref<6x128x128xf32, #tpu.memory_space<vmem>> -> memref<1x128x128xf32, #tpu.memory_space<vmem>>
      %dma_wait3A_106 = tpu.memref_squeeze %dma_wait3A_105 : memref<1x128x128xf32, #tpu.memory_space<vmem>> -> memref<128x128xf32, #tpu.memory_space<vmem>>
      %dma_wait3A_107 = arith.constant 0 : i32
      %dma_wait3A_108 = tpu.memref_slice %arg4[%mul3A_102, %dma_wait3A_107] : memref<1000000x128xf32, #tpu.memory_space<hbm>> -> memref<128x128xf32, #tpu.memory_space<hbm>>
      %dma_wait3A_109 = arith.constant 0 : i32
      %dma_wait3A_110 = tpu.memref_slice %arg4[%mul3A_102, %dma_wait3A_109] : memref<1000000x128xf32, #tpu.memory_space<hbm>> -> memref<128x128xf32, #tpu.memory_space<hbm>>
      %dma_wait3A_111 = arith.constant 0 : i32
      %dma_wait3A_112 = arith.constant 0 : i32
      %dma_wait3A_113 = tpu.memref_slice %arg6[%dma_wait3A, %dma_wait3A_111, %dma_wait3A_112] : memref<6x128x128xf32, #tpu.memory_space<vmem>> -> memref<1x128x128xf32, #tpu.memory_space<vmem>>
      %dma_wait3A_114 = tpu.memref_squeeze %dma_wait3A_113 : memref<1x128x128xf32, #tpu.memory_space<vmem>> -> memref<128x128xf32, #tpu.memory_space<vmem>>
      tpu.wait_dma2 semaphore(%arg20 : memref<!tpu.dma_semaphore, #tpu.memory_space<semaphore_mem>>) src(%dma_wait3A_114 : memref<128x128xf32, #tpu.memory_space<vmem>>) dst(%dma_wait3A_110 : memref<128x128xf32, #tpu.memory_space<hbm>>)
    } else {
    }
    %eq3A_95 = arith.constant 31 : i32
    %eq3A_96 = arith.cmpi eq, %add3A, %eq3A_95 : i32
    %convert_element_type3A_97 = arith.extui %eq3A_96 : i1 to i32
    %cond3A_98 = arith.constant 0 : i32
    %cond3A_99 = arith.cmpi ne, %convert_element_type3A_97, %cond3A_98 : i32
    scf.if %cond3A_99 {
      %dma_start3A = arith.constant 0 : i32
      %dma_start3A_100 = arith.constant 0 : i32
      %dma_start3A_101 = arith.constant 0 : i32
      %dma_start3A_102 = tpu.memref_slice %arg6[%dma_start3A, %dma_start3A_100, %dma_start3A_101] : memref<6x128x128xf32, #tpu.memory_space<vmem>> -> memref<1x128x128xf32, #tpu.memory_space<vmem>>
      %dma_start3A_103 = tpu.memref_squeeze %dma_start3A_102 : memref<1x128x128xf32, #tpu.memory_space<vmem>> -> memref<128x128xf32, #tpu.memory_space<vmem>>
      %dma_start3A_104 = arith.constant 0 : i32
      %dma_start3A_105 = arith.constant 0 : i32
      %dma_start3A_106 = tpu.memref_slice %dma_start3A_103[%dma_start3A_104, %dma_start3A_105] : memref<128x128xf32, #tpu.memory_space<vmem>> -> memref<64x128xf32, #tpu.memory_space<vmem>>
      %dma_start3A_107 = arith.constant 31232 : i32
      %dma_start3A_108 = tpu.memref_slice %arg5[%dma_start3A_107] : memref<31360xi32, #tpu.memory_space<vmem>> -> memref<64xi32, #tpu.memory_space<vmem>>
      %dma_start3A_109 = arith.constant 0 : i32
      %dma_start3A_110 = arith.constant 0 : i32
      %dma_start3A_111 = tpu.memref_slice %arg7[%dma_start3A_109, %dma_start3A_110] : memref<119x128xf32, #tpu.memory_space<vmem_shared>> -> memref<119x128xf32, #tpu.memory_space<vmem_shared>>
      tpu.enqueue_indirect_dma source(%dma_start3A_111 : memref<119x128xf32, #tpu.memory_space<vmem_shared>>) target(%dma_start3A_106 : memref<64x128xf32, #tpu.memory_space<vmem>>) offsets(%dma_start3A_108 : memref<64xi32, #tpu.memory_space<vmem>>) semaphore(%arg8 : memref<!tpu.dma_semaphore, #tpu.memory_space<semaphore_mem>>)
      %dma_wait3A = arith.constant 0 : i32
      %dma_wait3A_112 = arith.constant 0 : i32
      %dma_wait3A_113 = arith.constant 0 : i32
      %dma_wait3A_114 = tpu.memref_slice %arg6[%dma_wait3A, %dma_wait3A_112, %dma_wait3A_113] : memref<6x128x128xf32, #tpu.memory_space<vmem>> -> memref<1x128x128xf32, #tpu.memory_space<vmem>>
      %dma_wait3A_115 = tpu.memref_squeeze %dma_wait3A_114 : memref<1x128x128xf32, #tpu.memory_space<vmem>> -> memref<128x128xf32, #tpu.memory_space<vmem>>
      %dma_wait3A_116 = arith.constant 0 : i32
      %dma_wait3A_117 = arith.constant 0 : i32
      %dma_wait3A_118 = tpu.memref_slice %dma_wait3A_115[%dma_wait3A_116, %dma_wait3A_117] : memref<128x128xf32, #tpu.memory_space<vmem>> -> memref<64x128xf32, #tpu.memory_space<vmem>>
      %dma_wait3A_119 = arith.constant 31232 : i32
      %dma_wait3A_120 = tpu.memref_slice %arg5[%dma_wait3A_119] : memref<31360xi32, #tpu.memory_space<vmem>> -> memref<64xi32, #tpu.memory_space<vmem>>
      %dma_wait3A_121 = arith.constant 0 : i32
      %dma_wait3A_122 = arith.constant 0 : i32
      %dma_wait3A_123 = tpu.memref_slice %arg7[%dma_wait3A_121, %dma_wait3A_122] : memref<119x128xf32, #tpu.memory_space<vmem_shared>> -> memref<119x128xf32, #tpu.memory_space<vmem_shared>>
      tpu.wait_indirect_dma semaphore(%arg8 : memref<!tpu.dma_semaphore, #tpu.memory_space<semaphore_mem>>) src(%dma_wait3A_123 : memref<119x128xf32, #tpu.memory_space<vmem_shared>>) dst(%dma_wait3A_118 : memref<64x128xf32, #tpu.memory_space<vmem>>)
      %run_scoped3A = arith.constant 0 : i32
      "tpu.region"() ({
        %run_scoped3A_124 = tpu.sem_alloc : memref<!tpu.dma_semaphore, #tpu.memory_space<semaphore_mem>>
        %dma_start3A_125 = arith.constant 0 : i32
        %dma_start3A_126 = arith.constant 0 : i32
        %dma_start3A_127 = tpu.memref_slice %arg6[%run_scoped3A, %dma_start3A_125, %dma_start3A_126] : memref<6x128x128xf32, #tpu.memory_space<vmem>> -> memref<1x128x128xf32, #tpu.memory_space<vmem>>
        %dma_start3A_128 = tpu.memref_squeeze %dma_start3A_127 : memref<1x128x128xf32, #tpu.memory_space<vmem>> -> memref<128x128xf32, #tpu.memory_space<vmem>>
        %dma_start3A_129 = arith.constant 0 : i32
        %dma_start3A_130 = arith.constant 0 : i32
        %dma_start3A_131 = tpu.memref_slice %dma_start3A_128[%dma_start3A_129, %dma_start3A_130] : memref<128x128xf32, #tpu.memory_space<vmem>> -> memref<64x128xf32, #tpu.memory_space<vmem>>
        %dma_start3A_132 = arith.constant 999936 : i32
        %dma_start3A_133 = arith.constant 0 : i32
        %dma_start3A_134 = tpu.memref_slice %arg4[%dma_start3A_132, %dma_start3A_133] : memref<1000000x128xf32, #tpu.memory_space<hbm>> -> memref<64x128xf32, #tpu.memory_space<hbm>>
        %dma_start3A_135 = arith.constant 999936 : i32
        %dma_start3A_136 = arith.constant 0 : i32
        %dma_start3A_137 = tpu.memref_slice %arg4[%dma_start3A_135, %dma_start3A_136] : memref<1000000x128xf32, #tpu.memory_space<hbm>> -> memref<64x128xf32, #tpu.memory_space<hbm>>
        %dma_start3A_138 = arith.constant 0 : i32
        %dma_start3A_139 = arith.constant 0 : i32
        %dma_start3A_140 = tpu.memref_slice %arg6[%run_scoped3A, %dma_start3A_138, %dma_start3A_139] : memref<6x128x128xf32, #tpu.memory_space<vmem>> -> memref<1x128x128xf32, #tpu.memory_space<vmem>>
        %dma_start3A_141 = tpu.memref_squeeze %dma_start3A_140 : memref<1x128x128xf32, #tpu.memory_space<vmem>> -> memref<128x128xf32, #tpu.memory_space<vmem>>
        %dma_start3A_142 = arith.constant 0 : i32
        %dma_start3A_143 = arith.constant 0 : i32
        %dma_start3A_144 = tpu.memref_slice %dma_start3A_141[%dma_start3A_142, %dma_start3A_143] : memref<128x128xf32, #tpu.memory_space<vmem>> -> memref<64x128xf32, #tpu.memory_space<vmem>>
        tpu.enqueue_dma source(%dma_start3A_144 : memref<64x128xf32, #tpu.memory_space<vmem>>) target(%dma_start3A_137 : memref<64x128xf32, #tpu.memory_space<hbm>>) target_semaphore(%run_scoped3A_124 : memref<!tpu.dma_semaphore, #tpu.memory_space<semaphore_mem>>)
        %dma_wait3A_145 = arith.constant 0 : i32
        %dma_wait3A_146 = arith.constant 0 : i32
        %dma_wait3A_147 = tpu.memref_slice %arg6[%run_scoped3A, %dma_wait3A_145, %dma_wait3A_146] : memref<6x128x128xf32, #tpu.memory_space<vmem>> -> memref<1x128x128xf32, #tpu.memory_space<vmem>>
        %dma_wait3A_148 = tpu.memref_squeeze %dma_wait3A_147 : memref<1x128x128xf32, #tpu.memory_space<vmem>> -> memref<128x128xf32, #tpu.memory_space<vmem>>
        %dma_wait3A_149 = arith.constant 0 : i32
        %dma_wait3A_150 = arith.constant 0 : i32
        %dma_wait3A_151 = tpu.memref_slice %dma_wait3A_148[%dma_wait3A_149, %dma_wait3A_150] : memref<128x128xf32, #tpu.memory_space<vmem>> -> memref<64x128xf32, #tpu.memory_space<vmem>>
        %dma_wait3A_152 = arith.constant 999936 : i32
        %dma_wait3A_153 = arith.constant 0 : i32
        %dma_wait3A_154 = tpu.memref_slice %arg4[%dma_wait3A_152, %dma_wait3A_153] : memref<1000000x128xf32, #tpu.memory_space<hbm>> -> memref<64x128xf32, #tpu.memory_space<hbm>>
        %dma_wait3A_155 = arith.constant 999936 : i32
        %dma_wait3A_156 = arith.constant 0 : i32
        %dma_wait3A_157 = tpu.memref_slice %arg4[%dma_wait3A_155, %dma_wait3A_156] : memref<1000000x128xf32, #tpu.memory_space<hbm>> -> memref<64x128xf32, #tpu.memory_space<hbm>>
        %dma_wait3A_158 = arith.constant 0 : i32
        %dma_wait3A_159 = arith.constant 0 : i32
        %dma_wait3A_160 = tpu.memref_slice %arg6[%run_scoped3A, %dma_wait3A_158, %dma_wait3A_159] : memref<6x128x128xf32, #tpu.memory_space<vmem>> -> memref<1x128x128xf32, #tpu.memory_space<vmem>>
        %dma_wait3A_161 = tpu.memref_squeeze %dma_wait3A_160 : memref<1x128x128xf32, #tpu.memory_space<vmem>> -> memref<128x128xf32, #tpu.memory_space<vmem>>
        %dma_wait3A_162 = arith.constant 0 : i32
        %dma_wait3A_163 = arith.constant 0 : i32
        %dma_wait3A_164 = tpu.memref_slice %dma_wait3A_161[%dma_wait3A_162, %dma_wait3A_163] : memref<128x128xf32, #tpu.memory_space<vmem>> -> memref<64x128xf32, #tpu.memory_space<vmem>>
        tpu.wait_dma2 semaphore(%run_scoped3A_124 : memref<!tpu.dma_semaphore, #tpu.memory_space<semaphore_mem>>) src(%dma_wait3A_164 : memref<64x128xf32, #tpu.memory_space<vmem>>) dst(%dma_wait3A_157 : memref<64x128xf32, #tpu.memory_space<hbm>>)
        tpu.yield
      }) : () -> ()
    } else {
    }
    return
  }
}

</mosaic_0001>

<sc_bundles>
// kernel: kernel.3.cloned.1.call-start
scs
__scs_entry_jumppad:
0x0: {  	(pc) =	sbr.rel $0x88, $3  }
0x1: {  	(tag) =	ssettag $0x0;
	lr =	simm.s32 $0x1  }
0x2: {  	[smem:$0x3F9F] =	sst lr;
	_ =	strace $0xD0000000  }
0x3: {  	_ = 	snop  }
0x4: {  	_ = 	snop  }
0x5: {  	_ = 	snop  }
0x6: {  	_ = 	snop  }
0x7: {  	_ = 	snop  }
__scs_overlays_trampoline_lowered:
0x8: {  	[smem:$0x3FAE] =	sst s0  }
0x9: {  	[smem:$0x3FAF] =	sst s1  }
0xa: {  	[smem:$0x3FB0] =	sst s2  }
0xb: {  	[smem:$0x3FB1] =	sst s3  }
0xc: {  	[smem:$0x3FB2] =	sst s4  }
0xd: {  	[smem:$0x3FB3] =	sst s5  }
0xe: {  	[smem:$0x3FB4] =	sst s6  }
0xf: {  	[smem:$0x3FB5] =	sst s7  }
0x10: {  	[smem:$0x3FB6] =	sst s8  }
0x11: {  	[smem:$0x3FB7] =	sst s9;
	s0 =	simm.s32 @!p0 $0x0  }
0x12: {  	s1 =	sld [smem:$0x3F9D];
	s0 =	simm.s32 @p0 $0x1  }
0x13: {  	[smem:$0x3FB8] =	sst s0;
	s0 =	simm.s32 @!p1 $0x0  }
0x14: {  	s2 =	sld [smem:$0x3F9C];
	s0 =	simm.s32 @p1 $0x1  }
0x15: {  	[smem:$0x3FB9] =	sst s0;
	s0 =	simm.s32 @!p2 $0x0  }
0x16: {  	s3 =	sld [smem:$0x3FDB];
	s0 =	simm.s32 @p2 $0x1  }
0x17: {  	s4 =	simm.s32 $0x1BF5;
	[smem:$0x3FBB] =	sst s0  }
0x18: {  	s0 =	sld [smem:$0x3F9E];
	_ =	swait.ge [sflag:s4], $0x0  }
0x19: {  	s7 =	sld [smem:$0x3F9F]  }
0x1a: {  	s8 =	sadd.s32 $0xFFFFE003, lr  }
0x1b: {  	s9 =	sadd.s32 $0xFFFFFEF7, lr;
	s5 =	simm.s32 $0xFFFFFFFF;
	p2 =	slt.u32 s8, $0xFFFFF086  }
0x1c: {  	p1 =	slt.u32 s9, $0xF7A;
	s5 =	simm.s32 @!p2 $0x0  }
0x1d: {  	s5 =	simm.s32 @p1 $0x1;
	p0 =	seq.s32 s7, s2  }
0x1e: {  	s7 =	smul.u32 @!p0 $0xF7A, s2;
	p2 =	seq.s32 @!p0 s5, $0x0  }
0x1f: {  	s9 =	smul.u32 $0xF7A, s1;
	s8 =	simm.s32 @!p0 $0x1BF5;
	p2 =	por !p2, p0  }
0x20: {  	[sflag:s8] =	ssyncset.s32 @!p0 $0xFFFFF086;
	s6 =	sadd.s32 @!p0 s3, s7;
	s7 =	simm.s32 @!p0 $0x108  }
0x21: {  	s3 =	sadd.s32 s3, s9;
	s6 =	sadd.s32 @!p0 $0x88, s6;
	s7 =	simm.s32 @p2 $0x1082  }
0x22: {  	[simem:s7], [sflag:s8] =	dma.local @!p0 [hbm:s6], $0xF7A  }
0x23: {  	s9 =	sor.u32 $0xD0000000, s2;
	s6 =	simm.s32 $0x108;
	_ =	swait.ge @!p0 [sflag:s8], $0x0  }
0x24: {  	s3 =	sadd.s32 $0x88, s3;
	s6 =	simm.s32 @!p1 $0x1082;
	[sflag:s4] =	ssyncset.s32 $0xFFFFF086  }
0x25: {  	[simem:s6], [sflag:s4] =	dma.local [hbm:s3], $0xF7A  }
0x26: {  	[smem:$0x3F9F] =	sst s1;
	(tag) =	ssettag s2;
	_ =	strace s9  }
0x27: {  	s1 =	sld [smem:$0x3FAF]  }
0x28: {  	s2 =	sld [smem:$0x3FB0]  }
0x29: {  	s4 =	sld [smem:$0x3FB2]  }
0x2a: {  	p0 =	seq.s32 s5, $0x0;
	s5 =	sld [smem:$0x3FB3]  }
0x2b: {  	s6 =	sld [smem:$0x3FB4]  }
0x2c: {  	s7 =	sld [smem:$0x3FB5]  }
0x2d: {  	s3 =	simm.s32 $0x108;
	s8 =	sld [smem:$0x3FB6]  }
0x2e: {  	s3 =	simm.s32 @!p0 $0x1082;
	s9 =	sld [smem:$0x3FB7]  }
0x2f: {  	lr =	sadd.s32 s0, s3;
	s0 =	sld [smem:$0x3FAE]  }
0x30: {  	s3 =	sld [smem:$0x3FB1]  }
0x31: {  	[smem:$0x3FBA] =	sst s10  }
0x32: {  	s10 =	sld [smem:$0x3FB8];
	_ =	sdelay $0x3  }
0x33: {  	p0 =	seq.s32 s10, $0x1;
	s10 =	sld [smem:$0x3FBA];
	_ =	sdelay $0x3  }
0x34: {  	[smem:$0x3FBA] =	sst s10  }
0x35: {  	s10 =	sld [smem:$0x3FB9];
	_ =	sdelay $0x3  }
0x36: {  	p1 =	seq.s32 s10, $0x1;
	s10 =	sld [smem:$0x3FBA];
	_ =	sdelay $0x3  }
0x37: {  	[smem:$0x3FBA] =	sst s10  }
0x38: {  	s10 =	sld [smem:$0x3FBB]  }
0x39: {  	_ = 	snop;
	(pc) =	sbr.ind lr, $3  }
0x3a: {  	_ = 	snop  }
0x3b: {  	_ = 	snop  }
0x3c: {  	p2 =	seq.s32 s10, $0x1;
	s10 =	sld [smem:$0x3FBA]  }
0x3d: {  	_ =	shalt  }
0x3e: {  	_ =	shalt  }
0x3f: {  	_ =	shalt  }
0x40: {  	_ =	shalt  }
0x41: {  	_ =	shalt  }
0x42: {  	_ =	shalt  }
0x43: {  	_ =	shalt  }
0x44: {  	_ =	shalt  }
0x45: {  	_ =	shalt  }
0x46: {  	_ =	shalt  }
0x47: {  	_ =	shalt  }
0x48: {  	_ =	shalt  }
0x49: {  	_ =	shalt  }
0x4a: {  	_ =	shalt  }
0x4b: {  	_ =	shalt  }
0x4c: {  	_ =	shalt  }
0x4d: {  	_ =	shalt  }
0x4e: {  	_ =	shalt  }
0x4f: {  	_ =	shalt  }
0x50: {  	_ =	shalt  }
0x51: {  	_ =	shalt  }
0x52: {  	_ =	shalt  }
0x53: {  	_ =	shalt  }
0x54: {  	_ =	shalt  }
0x55: {  	_ =	shalt  }
0x56: {  	_ =	shalt  }
0x57: {  	_ =	shalt  }
0x58: {  	_ =	shalt  }
0x59: {  	_ =	shalt  }
0x5a: {  	_ =	shalt  }
0x5b: {  	_ =	shalt  }
0x5c: {  	_ =	shalt  }
0x5d: {  	_ =	shalt  }
0x5e: {  	_ =	shalt  }
0x5f: {  	_ =	shalt  }
0x60: {  	_ =	shalt  }
0x61: {  	_ =	shalt  }
0x62: {  	_ =	shalt  }
0x63: {  	_ =	shalt  }
0x64: {  	_ =	shalt  }
0x65: {  	_ =	shalt  }
0x66: {  	_ =	shalt  }
0x67: {  	_ =	shalt  }
0x68: {  	_ =	shalt  }
0x69: {  	_ =	shalt  }
0x6a: {  	_ =	shalt  }
0x6b: {  	_ =	shalt  }
0x6c: {  	_ =	shalt  }
0x6d: {  	_ =	shalt  }
0x6e: {  	_ =	shalt  }
0x6f: {  	_ =	shalt  }
0x70: {  	_ =	shalt  }
0x71: {  	_ =	shalt  }
0x72: {  	_ =	shalt  }
0x73: {  	_ =	shalt  }
0x74: {  	_ =	shalt  }
0x75: {  	_ =	shalt  }
0x76: {  	_ =	shalt  }
0x77: {  	_ =	shalt  }
0x78: {  	_ =	shalt  }
0x79: {  	_ =	shalt  }
0x7a: {  	_ =	shalt  }
0x7b: {  	_ =	shalt  }
0x7c: {  	_ =	shalt  }
0x7d: {  	_ =	shalt  }
0x7e: {  	_ =	shalt  }
0x7f: {  	_ =	shalt  }
0x80: {  	_ =	shalt  }
0x81: {  	_ =	shalt  }
0x82: {  	_ =	shalt  }
0x83: {  	_ =	shalt  }
0x84: {  	_ =	shalt  }
0x85: {  	_ =	shalt  }
0x86: {  	_ =	shalt  }
0x87: {  	_ =	shalt  }
.Lfunc_end0:
.L_simem_size_0:
called_computation_lowered:
.L_overlay_start_0:
0x88: {  	s2 =	sld [smem:$0x3FD9]  }
0x89: {  	s3 =	sld [smem:$0x3FFE];
	_ =	sdelay $0x1  }
0x8a: {  	s1 =	srdreg.scid  }
0x8b: {  	s0 =	sand.u32 $0x1, s1  }
0x8c: {  	s18 =	sshll.u32 s0, $0xA;
	s2 =	sadd.s32 s3, s2  }
0x8d: {  	s2 =	sadd.s32 s2, s18  }
0x8e: {  	[smem:$0x3FC6] =	sst s2  }
0x8f: {  	_ = 	snop  }
0x90: {  	s2 =	sld [smem:$0x3FC9]  }
0x91: {  	s19 =	sld [smem:$0x3FC8]  }
0x92: {  	s4 =	sld [smem:$0x3FD0];
	(tm) =	ssettm $0x1  }
0x93: {  	s5 =	sld [smem:$0x3FFB];
	_ =	sdelay $0x3  }
0x94: {  	_ =	strace s5  }
0x95: {  	s5 =	sld [smem:$0x3FFC];
	_ =	sdelay $0x3  }
0x96: {  	_ =	strace s5  }
0x97: {  	s5 =	sld [smem:$0x3FFD];
	_ =	sdelay $0x3  }
0x98: {  	_ =	strace s5  }
0x99: {  	_ =	strace $0x8FFFFFFF  }
0x9a: {  	s20 =	sld [smem:$0x3FDB];
	_ =	sdelay $0x1  }
0x9b: {  	s6 =	simm.s32 $_scs_section_size  }
0x9c: {  	s7 =	simm.s32 $_size__tile_overlayer_lowered;
	s8 =	simm.s32 $_tile_overlayer_lowered  }
0x9d: {  	s23 =	simm.s32 $0x1BFF;
	s22 =	sshll.u32 s8, $0x1;
	s5 =	sadd.s32 s6, s20  }
0x9e: {  	s9 =	simm.s32 $0x0;
	s21 =	sshll.u32 s7, $0x1;
	s7 =	sadd.s32 s22, s5  }
0x9f: {  	[timem:s9], [sflag:s23] =	dma.local [hbm:s7], s21  }
0xa0: {  	_ =	swait.ge [sflag:s23], s21  }
0xa1: {  	s6 =	ssub.s32 $0x0, s21;
	[sflag:s23] =	ssyncset.done $0x0  }
0xa2: {  	[sflag:s23] =	ssyncadd.s32 s6;
	_ =	sdelay $0x1  }
0xa3: {  	s24 =	simm.s32 $0x1B8B  }
0xa4: {  	_ =	swait.ge [sflag:s24], $0x1  }
0xa5: {  	[sflag:s24] =	ssyncset.done $0x0  }
0xa6: {  	s25 =	simm.s32 $0x1B8E;
	[sflag:s24] =	ssyncadd.s32 $0xFFFFFFFF  }
0xa7: {  	s26 =	simm.s32 $execute0_lowered;
	[smem:$0x3FD2] =	sst s25  }
0xa8: {  	s6 =	sshll.u32 s26, $0x1;
	_ =	strace $0x80000046;
	[dreg:$0x1] =	wrdreg $0xFFFFFFFF  }
0xa9: {  	s28 =	simm.s32 $_size_execute0_lowered;
	s5 =	sadd.s32 s5, s6;
	[dreg:$0x0] =	wrdreg $0x0  }
0xaa: {  	s6 =	sshll.u32 s28, $0x1;
	[dreg:$0x2] =	wrdreg s5  }
0xab: {  	[dreg:$0x3] =	wrdreg s6  }
0xac: {  	[dreg:$0x4] =	wrdreg $0xC0  }
0xad: {  	_ =	task [dreg:s9], $0x5FFFF  }
0xae: {  	[dreg:$0x1] =	wrdreg $0xFFFFFFFF  }
0xaf: {  	[dreg:$0x0] =	wrdreg $0x60  }
0xb0: {  	[dreg:$0x2] =	wrdreg s2  }
0xb1: {  	[dreg:$0x3] =	wrdreg s19  }
0xb2: {  	[dreg:$0x4] =	wrdreg s4  }
0xb3: {  	[dreg:$0x5] =	wrdreg $0x1FA800  }
0xb4: {  	[dreg:$0x6] =	wrdreg $0x9  }
0xb5: {  	_ =	task.clear_ibuf [dreg:s9], $0x7FFFF;
	_ =	strace $0x90000046  }
0xb6: {  	s29 =	simm.s32 $0x9;
	_ =	strace $0x80000048  }
0xb7: {  	_ =	swait.ge [sflag:s29], $0x1  }
0xb8: {  	[sflag:s29] =	ssyncadd.s32 $0xFFFFFFFF  }
0xb9: {  	_ =	strace $0x90000048  }
0xba: {  	_ =	sfence  }
0xbb: {  	s30 =	sld [smem:$0x0];
	_ =	sdelay $0x2  }
0xbc: {  	s31 =	sshll.u32 s1, $0xD;
	s1 =	sshrl.u32 s1, $0x2  }
0xbd: {  	s3 =	sand.u32 $0x4000, s31;
	s1 =	sadd.s32 s1, s30  }
0xbe: {  	s0 =	sor.u32 s3, s0;
	s1 =	sshll.u32 s1, $0x11  }
0xbf: {  	s0 =	sor.u32 s1, s0  }
0xc0: {  	s0 =	sadd.s32 $0x8F2B, s0  }
0xc1: {  	[sflag:s0] =	ssyncadd.remote.s32 $0x1  }
0xc2: {  	_ =	sfence.sel $0xFFFF  }
0xc3: {  	[dreg:$0x0] =	wrdreg $0xFFFFFFFF;
	(pc) =	sbr.abs _section_cstart, $3  }
0xc4: {  	[dreg:$0x1] =	wrdreg $0xFFFFFFFF  }
0xc5: {  	_ =	task.clear_ibuf [dreg:s9], $0x2FFFF;
	_ =	strace $0x9FFFFFFF  }
0xc6: {  	(tm) =	ssettm $0x7FFFFFFF  }
0xc7: {  	_ =	shalt  }
tec
execute0_lowered:
.L_overlay_start_1:
0x0: {  	(tag) =	ssettag $0x1  }
0x1: {  	s0 =	rddreg [dreg:$0x0]  }
0x2: {  	s1 =	rddreg [dreg:$0x2];
	s2 =	srdreg.scid  }
0x3: {  	s7 =	stileid.u32;
	s3 =	rddreg [dreg:$0x3];
	s4 =	simm.s32 $0x0  }
0x4: {  	s6 =	simm.s32 $0xF5;
	s16 =	simm.s32 $0x80;
	s17 =	simm.s32 $0x7A80  }
0x5: {  	s18 =	simm.s32 $0xBA80;
	s20 =	simm.s32 $0xFA80;
	s22 =	simm.s32 $0x13A80  }
0x6: {  	s28 =	simm.s32 $0x5;
	s29 =	simm.s32 $0x8;
	s30 =	simm.s32 $0x9  }
0x7: {  	s31 =	simm.s32 $0xA;
	s2 =	sand.u32 $0x1, s2;
	s5 =	sshll.u32 s7, $0x1  }
0x8: {  	[smem:$0x7FF] =	sst s4;
	p0 =	slt.u32 s7, $0x2;
	s12 =	smul.u32 $0x1E8, s7  }
0x9: {  	s25 =	sadd.s32 $0xF42000, s1;
	p1 =	sgt.u32 s7, $0x1;
	s8 =	sor.u32 s2, s5  }
0xa: {  	s9 =	ssub.s32 $0x2, s2;
	_ =	strace $0x80000047;
	s2 =	smul.u32 $0xF4, s2  }
0xb: {  	s6 =	simm.s32 @!p0 $0xF4;
	[dreg:$0x8] =	wrdreg s25;
	p0 =	sne.s32 s7, $0x0  }
0xc: {  	s25 =	simm.s32 $0x3;
	s5 =	smul.u32 $0xF4, s8;
	s10 =	sshrl.u32 s9, $0x1  }
0xd: {  	s11 =	smin.u32 s8, $0x4;
	p2 =	sne.s32 s8, $0x1F;
	s9 =	ssub.s32 s9, s10  }
0xe: {  	s24 =	sadd.s32 s2, s12;
	s12 =	sadd.s32 $0xFFFFFFFC, s6;
	s5 =	sadd.s32 s11, s5  }
0xf: {  	s2 =	simm.s32 $0xB;
	s26 =	smax.u32 s9, $0x1;
	s13 =	sshll.u32 s5, $0x4  }
0x10: {  	[dreg:$0x9] =	wrdreg s26;
	s23 =	sadd.s32 s0, s13;
	s0 =	sadd.s32 $0x1E840, s0  }
.Ltmp0:
0x11: {  	[dreg:$0x7] =	wrdreg s0;
	s0 =	sadd.s32 s11, s24;
	(pc) =	sbr.rel .LBB2_1-.Ltmp0, $4  }
0x12: {  	[dreg:$0x5] =	wrdreg s23;
	s10 =	sadd.s32 $0xF40, s23;
	s0 =	sshll.u32 s0, $0xB  }
0x13: {  	s9 =	simm.s32 $0x0;
	[dreg:$0x6] =	wrdreg s10;
	s0 =	sadd.s32 s0, s1  }
0x14: {  	s26 =	simm.s32 $0x4;
	[dreg:$0xa] =	wrdreg s0;
	s0 =	sshrl.u32 @!p0 s3, $0x3  }
0x15: {  	s24 =	simm.s32 $0x2;
	[dreg:$0xb] =	wrdreg s0;
	s0 =	simm.s32 $0xC  }
.LBB2_10:
0x16: {  	_ =	swait.ge [sflag:s29], $0x4000  }
0x17: {  	[sflag:s29] =	ssyncset.done $0x0  }
0x18: {  	[sflag:s29] =	ssyncadd.s32 $0xFFFFC000  }
0x19: {  	_ =	swait.ge [sflag:s30], $0x4000  }
0x1a: {  	[sflag:s30] =	ssyncset.done $0x0  }
0x1b: {  	[sflag:s30] =	ssyncadd.s32 $0xFFFFC000  }
0x1c: {  	_ =	swait.ge [sflag:s31], $0x4000  }
0x1d: {  	[sflag:s31] =	ssyncset.done $0x0  }
0x1e: {  	[sflag:s31] =	ssyncadd.s32 $0xFFFFC000  }
0x1f: {  	_ =	swait.ge [sflag:s2], $0x4000  }
0x20: {  	[sflag:s2] =	ssyncset.done $0x0  }
0x21: {  	[sflag:s2] =	ssyncadd.s32 $0xFFFFC000  }
0x22: {  	_ =	swait.ge [sflag:s0], $0x4000  }
0x23: {  	[sflag:s0] =	ssyncset.done $0x0  }
0x24: {  	s7 =	simm.s32 $0xD;
	[sflag:s0] =	ssyncadd.s32 $0xFFFFC000  }
0x25: {  	_ =	swait.ge [sflag:s7], $0x4000  }
0x26: {  	s8 =	simm.s32 @!p2 $0x7A00;
	[sflag:s7] =	ssyncset.done $0x0  }
0x27: {  	s9 =	simm.s32 @!p2 $0x7A80;
	[sflag:s7] =	ssyncadd.s32 $0xFFFFC000;
	s7 =	simm.s32 @!p2 $0x40  }
0x28: {  	[tilespmem:s9], [sflag:$0x1] =	stream.indirect.gather @!p2 [spmem:s3], $0x80, s8, s7, $0xb8;
	[tilespmem:$0x1FE38] =	vst v63  }
0x29: {  	s7 =	simm.s32 @!p2 $0x1  }
0x2a: {  	_ =	swait.ge @!p2 [sflag:s7], $0x2000  }
0x2b: {  	[sflag:s7] =	ssyncset.done @!p2 $0x0  }
0x2c: {  	s8 =	rddreg [dreg:$0x8];
	[sflag:s7] =	ssyncadd.s32 @!p2 $0xFFFFE000;
	s7 =	simm.s32 @!p2 $0x0  }
0x2d: {  	[hbm4b:s8+s7] =	stream.linear.scatter @!p2 [tilespmem:s9], [sflag:$0xE], $0x2000, $0x38;
	[tilespmem:$0x1FE38] =	vst v63  }
0x2e: {  	s7 =	simm.s32 @!p2 $0xE  }
0x2f: {  	_ =	swait.ge @!p2 [sflag:s7], $0x2000  }
0x30: {  	s21 =	rddreg [dreg:$0xc]  }
0x31: {  	s23 =	rddreg [dreg:$0x9];
	s9 =	sadd.s32 $0x1, s21  }
0x32: {  	p3 =	sne.s32 s9, s23  }
.Ltmp1:
0x33: {  	_ = 	snop;
	(pc) =	sbr.rel @!p3 .LBB2_11-.Ltmp1, $3  }
0x34: {  	_ =	sdelay $0x1  }
0x35: {  	[sflag:s7] =	ssyncset.done @!p2 $0x0  }
0x36: {  	[sflag:s7] =	ssyncadd.s32 @!p2 $0xFFFFE000  }
.LBB2_1:
0x37: {  	[dreg:$0xc] =	wrdreg s9  }
0x38: {  	s8 =	rddreg [dreg:$0x1]  }
0x39: {  	s7 =	simm.s32 @!p0 $0x1C0E;
	s9 =	rddreg [dreg:$0xb]  }
0x3a: {  	[spmem:s9], [sflag:s7] =	dma.local @!p0 [hbm:s8], $0x770  }
0x3b: {  	s7 =	simm.s32 @!p0 $0xE  }
0x3c: {  	_ =	swait.ge @!p0 [sflag:s7], $0x770  }
0x3d: {  	[sflag:s7] =	ssyncset.done @!p0 $0x0  }
0x3e: {  	s23 =	simm.s32 $0xE;
	s21 =	rddreg [dreg:$0x5];
	[sflag:s7] =	ssyncadd.s32 @!p0 $0xFFFFF890  }
0x3f: {  	[tilespmem:s4], [sflag:$0xE] =	stream.linear.gather [hbm4b:s21+s4], $0x7A00, $0x38;
	[tilespmem:$0x1FE38] =	vst v63  }
0x40: {  	_ =	swait.ge [sflag:s23], $0x7A00  }
0x41: {  	s8 =	simm.s32 @!p1 $0x7A00;
	[sflag:s23] =	ssyncset.done $0x0  }
0x42: {  	s7 =	simm.s32 @!p1 $0x0;
	s9 =	rddreg [dreg:$0x6];
	[sflag:s23] =	ssyncadd.s32 $0xFFFF8600  }
0x43: {  	[tilespmem:s8], [sflag:$0xE] =	stream.linear.gather @!p1 [hbm4b:s9+s7], $0x80, $0x38;
	[tilespmem:$0x1FE38] =	vst v63  }
0x44: {  	s7 =	simm.s32 @!p1 $0xE  }
0x45: {  	_ =	swait.ge @!p1 [sflag:s7], $0x80  }
0x46: {  	s8 =	simm.s32 @!p2 $0x7A00;
	[sflag:s7] =	ssyncset.done @!p1 $0x0  }
0x47: {  	s9 =	rddreg [dreg:$0x7];
	[sflag:s7] =	ssyncadd.s32 @!p1 $0xFFFFFF80;
	s7 =	simm.s32 @!p2 $0x0  }
0x48: {  	[tilespmem:s8], [sflag:$0xE] =	stream.linear.gather @!p2 [hbm4b:s9+s7], $0x40, $0x38;
	[tilespmem:$0x1FE38] =	vst v63  }
0x49: {  	s7 =	simm.s32 @!p2 $0xE  }
.Ltmp2:
0x4a: {  	_ =	swait.ge @!p2 [sflag:s7], $0x40;
	(pc) =	sbr.rel .LBB2_2-.Ltmp2, $4  }
0x4b: {  	[sflag:s7] =	ssyncset.done @!p2 $0x0  }
0x4c: {  	[sflag:s7] =	ssyncadd.s32 @!p2 $0xFFFFFFC0  }
0x4d: {  	[bflag:$0x0] =	sbarrier.arrive $0xFFFF  }
0x4e: {  	s11 =	simm.s32 $0x0;
	s7 =	simm.s32 $0x0;
	s13 =	rddreg [dreg:$0xa]  }
.LBB2_5:
0x4f: {  	s10 =	sshll.u32 s14, $0x7  }
0x50: {  	s9 =	simm.s32 $0x17A80;
	p3 =	por $0x1, $0x1;
	s10 =	sand.u32 $0x3FFFFF80, s10  }
0x51: {  	[tilespmem:s9], [sflag:$0x6] =	stream.indirect.gather [spmem:s3], $0x80, s10, s16, $0xb8;
	[tilespmem:$0x1FE38] =	vst v63  }
.LBB2_6:
0x52: {  	s10 =	sadd.s32 $0x5, s11  }
0x53: {  	p5 =	sge.u32 s10, s6  }
0x54: {  	p4 =	seq.s32 @!p5 s11, $0x0  }
0x55: {  	p4 =	por p4, p5  }
0x56: {  	s21 =	simm.s32 @!p4 $0xD  }
0x57: {  	s9 =	simm.s32 @!p5 $0x80;
	_ =	swait.ge @!p4 [sflag:s21], $0x4000  }
0x58: {  	s23 =	simm.s32 @!p5 $0x1BA80;
	p6 =	por @!p5 $0x1, $0x1;
	[sflag:s21] =	ssyncset.done @!p4 $0x0  }
0x59: {  	[sflag:s21] =	ssyncadd.s32 @!p4 $0xFFFFC000;
	s21 =	sadd.s32 @!p5 $0x280, s7;
	p4 =	por $0x0, $0x0  }
0x5a: {  	[tilespmem:s23], [sflag:$0x7] =	stream.indirect.gather @!p5 [spmem:s3], $0x80, s21, s9, $0xb8;
	[tilespmem:$0x1FE38] =	vst v63  }
0x5b: {  	p4 =	por @!p5 p6, p6  }
.LBB2_9:
0x5c: {  	_ =	swait.ge [sflag:s24], $0x4000  }
0x5d: {  	[sflag:s24] =	ssyncset.done $0x0  }
0x5e: {  	s9 =	sadd.s32 s5, s19;
	[sflag:s24] =	ssyncadd.s32 $0xFFFFC000  }
0x5f: {  	[hbm4b:s13+s4] =	stream.linear.scatter [tilespmem:s17], [sflag:$0x8], $0x4000, $0x38;
	[tilespmem:$0x1FE38] =	vst v63  }
0x60: {  	s9 =	sshll.u32 s9, $0xB;
	_ =	swait.ge [sflag:s25], $0x4000  }
0x61: {  	s9 =	sand.u32 $0x1FFFF800, s9;
	[sflag:s25] =	ssyncset.done $0x0  }
0x62: {  	s8 =	sadd.s32 s5, s8;
	s9 =	sadd.s32 s1, s9;
	[sflag:s25] =	ssyncadd.s32 $0xFFFFC000  }
0x63: {  	[hbm4b:s9+s4] =	stream.linear.scatter [tilespmem:s18], [sflag:$0x9], $0x4000, $0x38;
	[tilespmem:$0x1FE38] =	vst v63  }
0x64: {  	s8 =	sshll.u32 s8, $0xB;
	_ =	swait.ge [sflag:s26], $0x4000  }
0x65: {  	s8 =	sand.u32 $0x1FFFF800, s8;
	[sflag:s26] =	ssyncset.done $0x0  }
0x66: {  	s23 =	sadd.s32 s5, s15;
	s8 =	sadd.s32 s1, s8;
	[sflag:s26] =	ssyncadd.s32 $0xFFFFC000  }
0x67: {  	[hbm4b:s8+s4] =	stream.linear.scatter [tilespmem:s20], [sflag:$0xA], $0x4000, $0x38;
	[tilespmem:$0x1FE38] =	vst v63  }
0x68: {  	s8 =	sshll.u32 s23, $0xB;
	_ =	swait.ge [sflag:s28], $0x4000  }
0x69: {  	s8 =	sand.u32 $0x1FFFF800, s8;
	[sflag:s28] =	ssyncset.done $0x0  }
0x6a: {  	s8 =	sadd.s32 s1, s8;
	[sflag:s28] =	ssyncadd.s32 $0xFFFFC000  }
0x6b: {  	[hbm4b:s8+s4] =	stream.linear.scatter [tilespmem:s22], [sflag:$0xB], $0x4000, $0x38;
	[tilespmem:$0x1FE38] =	vst v63  }
0x6c: {  	s8 =	simm.s32 @p3 $0x6  }
0x6d: {  	s9 =	sadd.s32 @p3 s5, s14;
	_ =	swait.ge @p3 [sflag:s8], $0x4000  }
0x6e: {  	s9 =	sshll.u32 @p3 s9, $0xB;
	[sflag:s8] =	ssyncset.done @p3 $0x0  }
0x6f: {  	s11 =	sadd.s32 $0x6, s11;
	[sflag:s8] =	ssyncadd.s32 @p3 $0xFFFFC000;
	s8 =	sand.u32 @p3 $0x1FFFF800, s9  }
0x70: {  	s14 =	simm.s32 @p3 $0x17A80;
	s9 =	simm.s32 @p3 $0x0;
	s8 =	sadd.s32 @p3 s1, s8  }
0x71: {  	[hbm4b:s8+s9] =	stream.linear.scatter @p3 [tilespmem:s14], [sflag:$0xC], $0x4000, $0x38;
	[tilespmem:$0x1FE38] =	vst v63  }
0x72: {  	s8 =	simm.s32 @p4 $0x7;
	p3 =	sne.s32 s11, $0xF6  }
.Ltmp3:
0x73: {  	s9 =	sadd.s32 @p4 s5, s10;
	_ =	swait.ge @p4 [sflag:s8], $0x4000;
	(pc) =	sbr.rel @!p3 .LBB2_10-.Ltmp3, $4  }
0x74: {  	s7 =	sadd.s32 $0x300, s7;
	s9 =	sshll.u32 @p4 s9, $0xB;
	[sflag:s8] =	ssyncset.done @p4 $0x0  }
0x75: {  	s13 =	sadd.s32 $0x3000, s13;
	[sflag:s8] =	ssyncadd.s32 @p4 $0xFFFFC000;
	s8 =	sand.u32 @p4 $0x1FFFF800, s9  }
0x76: {  	s10 =	simm.s32 @p4 $0x1BA80;
	s9 =	simm.s32 @p4 $0x0;
	s8 =	sadd.s32 @p4 s1, s8  }
0x77: {  	[hbm4b:s8+s9] =	stream.linear.scatter @p4 [tilespmem:s10], [sflag:$0xD], $0x4000, $0x38;
	[tilespmem:$0x1FE38] =	vst v63  }
.LBB2_2:
0x78: {  	p3 =	seq.s32 s11, $0x0  }
.Ltmp4:
0x79: {  	_ = 	snop;
	(pc) =	sbr.rel @p3 .LBB2_7-.Ltmp4, $1  }
0x7a: {  	_ =	sdelay $0x3  }
0x7b: {  	_ =	swait.ge [sflag:s29], $0x4000  }
0x7c: {  	[sflag:s29] =	ssyncset.done $0x0  }
0x7d: {  	[sflag:s29] =	ssyncadd.s32 $0xFFFFC000  }
0x7e: {  	[tilespmem:s17], [sflag:$0x2] =	stream.indirect.gather [spmem:s3], $0x80, s7, s16, $0xb8;
	[tilespmem:$0x1FE38] =	vst v63  }
0x7f: {  	_ =	swait.ge [sflag:s30], $0x4000  }
0x80: {  	[sflag:s30] =	ssyncset.done $0x0  }
0x81: {  	s8 =	sadd.s32 $0x80, s7;
	[sflag:s30] =	ssyncadd.s32 $0xFFFFC000  }
0x82: {  	[tilespmem:s18], [sflag:$0x3] =	stream.indirect.gather [spmem:s3], $0x80, s8, s16, $0xb8;
	[tilespmem:$0x1FE38] =	vst v63  }
0x83: {  	_ =	swait.ge [sflag:s31], $0x4000  }
0x84: {  	s14 =	sadd.s32 $0x4, s11;
	[sflag:s31] =	ssyncset.done $0x0  }
0x85: {  	s21 =	sadd.s32 $0x100, s7;
	p4 =	slt.u32 s14, s6;
	[sflag:s31] =	ssyncadd.s32 $0xFFFFC000  }
0x86: {  	[tilespmem:s20], [sflag:$0x4] =	stream.indirect.gather [spmem:s3], $0x80, s21, s16, $0xb8;
	[tilespmem:$0x1FE38] =	vst v63  }
.Ltmp5:
0x87: {  	_ = 	snop;
	(pc) =	sbr.rel @!p4 .LBB2_6-.Ltmp5, $4  }
0x88: {  	s23 =	sadd.s32 $0x180, s7;
	_ =	swait.ge [sflag:s2], $0x4000  }
0x89: {  	s19 =	sadd.s32 $0x1, s11;
	s15 =	sadd.s32 $0x3, s11;
	[sflag:s2] =	ssyncset.done $0x0  }
0x8a: {  	p3 =	por $0x0, $0x0;
	s8 =	sadd.s32 $0x2, s11;
	[sflag:s2] =	ssyncadd.s32 $0xFFFFC000  }
0x8b: {  	[tilespmem:s22], [sflag:$0x5] =	stream.indirect.gather [spmem:s3], $0x80, s23, s16, $0xb8;
	[tilespmem:$0x1FE38] =	vst v63  }
.Ltmp6:
0x8c: {  	(pc) =	sbr.rel .LBB2_5-.Ltmp6, $4  }
0x8d: {  	_ = 	snop  }
0x8e: {  	_ =	swait.ge [sflag:s0], $0x4000  }
0x8f: {  	[sflag:s0] =	ssyncset.done $0x0  }
0x90: {  	[sflag:s0] =	ssyncadd.s32 $0xFFFFC000  }
.LBB2_7:
0x91: {  	[tilespmem:s17], [sflag:$0x2] =	stream.indirect.gather [spmem:s3], $0x80, s7, s16, $0xb8;
	[tilespmem:$0x1FE38] =	vst v63  }
0x92: {  	p3 =	slt.u32 s11, s12  }
0x93: {  	[tilespmem:s18], [sflag:$0x3] =	stream.indirect.gather [spmem:s3], $0x80, s16, s16, $0xb8;
	[tilespmem:$0x1FE38] =	vst v63  }
.Ltmp7:
0x94: {  	_ = 	snop;
	(pc) =	sbr.rel @p3 .LBB2_5-.Ltmp7, $4  }
0x95: {  	s8 =	simm.s32 $0x100;
	s23 =	simm.s32 $0x180;
	s14 =	simm.s32 $0x4  }
0x96: {  	[tilespmem:s20], [sflag:$0x4] =	stream.indirect.gather [spmem:s3], $0x80, s8, s16, $0xb8;
	[tilespmem:$0x1FE38] =	vst v63  }
0x97: {  	s19 =	simm.s32 $0x1;
	s15 =	simm.s32 $0x3;
	s8 =	simm.s32 $0x2  }
0x98: {  	[tilespmem:s22], [sflag:$0x5] =	stream.indirect.gather [spmem:s3], $0x80, s23, s16, $0xb8;
	[tilespmem:$0x1FE38] =	vst v63  }
.Ltmp8:
0x99: {  	(pc) =	sbr.rel .LBB2_9-.Ltmp8, $2  }
0x9a: {  	_ =	sdelay $0x2  }
0x9b: {  	s10 =	simm.s32 $0x5;
	p4 =	por $0x0, $0x0;
	p3 =	por $0x0, $0x0  }
.LBB2_11:
0x9c: {  	_ =	sfence.sel $0x180000  }
0x9d: {  	[bflag:$0x0] =	sbarrier.arrive $0xFFFF  }
0x9e: {  	_ =	strace $0x90000047  }
0x9f: {  	[bflag:$0x2] =	sbarrier.arrive $0xFFFF  }
0xa0: {  	s0 =	rddreg [dreg:$0x4]  }
0xa1: {  	s0 =	sadd.s32 @!p0 $0x100000, s0  }
0xa2: {  	[sflag:s0] =	ssyncadd.tile.s32 @!p0 $0x1;
	_ =	shalt  }
.Lfunc_end2:
_tile_overlayer_lowered:
.L_overlay_start_2:
0xa3: {  	(tag) =	ssettag $0x2  }
0xa4: {  	s0 =	rddreg [dreg:$0x0];
	s2 =	stileid.u32  }
0xa5: {  	s1 =	rddreg [dreg:$0x1];
	p0 =	sne.s32 s2, $0x0  }
0xa6: {  	s3 =	rddreg [dreg:$0x2];
	[bflag:$0x3] =	sbarrier.arrive $0xFFFF;
	s2 =	simm.s32 @!p0 $0x1C0E  }
0xa7: {  	[timem:s3], [sflag:s2] =	dma.local @!p0 [hbm:s0], s1  }
0xa8: {  	s0 =	simm.s32 @!p0 $0xE  }
0xa9: {  	_ =	swait.ge @!p0 [sflag:s0], s1  }
0xaa: {  	s1 =	ssub.s32 @!p0 $0x0, s1;
	[sflag:s0] =	ssyncset.done @!p0 $0x0  }
0xab: {  	[sflag:s0] =	ssyncadd.s32 @!p0 s1  }
0xac: {  	[bflag:$0x3] =	sbarrier.arrive $0xFFFF  }
0xad: {  	_ =	shalt  }

</sc_bundles>
